<compile_context>
chip_gen: v7x
topology: tpu7x:2x2x1
jax: 0.10.2.dev20260603
libtpu: 0.0.44.dev20260713+nightly
codegen_flags: <defaults>
</compile_context>

<pallas_src>
import functools

import jax
import jax.numpy as jnp
from jax import lax
from jax.experimental import pallas as pl
from jax.experimental.pallas import tpu as pltpu
from jax.experimental.pallas import tpu_sc as plsc

_CUTOFF = 5.0
_NUM_BASIS = 16
_BC = 64000

_NC = 2
_NS = 16
_NW = _NC * _NS

_INV_C = 1.0 / _CUTOFF
_SQ2C = 0.6324555320336759
_P0 = 3.14158476
_P1 = -5.16724799
_P2 = 2.54287433
_P3 = -0.55715608


def _bessel_body(e_ref, o_ref):
    e = e_ref[...]
    r2 = jnp.sum(e * e, axis=0, keepdims=True)
    irs = lax.rsqrt(r2)
    scale = _SQ2C * irs
    thpi = _INV_C * (r2 * irs)
    n = (lax.broadcasted_iota(jnp.int32, (_NUM_BASIS, e.shape[1]), 0) + 1
         ).astype(jnp.float32)
    m = n * thpi
    k = jnp.round(m)
    u = m - k
    s = u * u
    p = _P3
    for c in (_P2, _P1, _P0):
        p = p * s + c
    p = p * u
    sb = k.astype(jnp.int32) << 31
    y = lax.bitcast_convert_type(
        lax.bitcast_convert_type(p, jnp.int32) ^ sb, jnp.float32)
    o_ref[...] = y * scale


def _bessel_edges_t(ea_t):
    ne = ea_t.shape[1]
    grid = ne // _BC
    assert grid * _BC == ne
    return pl.pallas_call(
        _bessel_body,
        grid=(grid,),
        in_specs=[pl.BlockSpec((3, _BC), lambda i: (0, i))],
        out_specs=pl.BlockSpec((_NUM_BASIS, _BC), lambda i: (0, i)),
        out_shape=jax.ShapeDtypeStruct((_NUM_BASIS, ne), jnp.float32),
    )(ea_t)


def _make_sc_gather(n, d, species):
    n_pad = ((n + 127) // 128) * 128
    nw = _NS
    b_full = ((-(-n_pad // nw) + 127) // 128) * 128
    b_last = n_pad - (nw - 1) * b_full
    r_last = n - (nw - 1) * b_full
    assert 0 < b_last <= b_full and b_last % 128 == 0
    assert 0 < r_last <= b_last and r_last % 8 == 0 and (b_last - r_last) % 16 == 0
    mesh = plsc.VectorSubcoreMesh(core_axis_name="c", subcore_axis_name="s",
                                  num_cores=1)

    @functools.partial(
        pl.kernel,
        mesh=mesh,
        compiler_params=pltpu.CompilerParams(use_tc_tiling_on_sc=True,
                                            needs_layout_passes=False),
        out_type=(jax.ShapeDtypeStruct((d, n_pad), jnp.float32),
                  jax.ShapeDtypeStruct((d, n_pad), jnp.float32)),
        scratch_types=[
            pltpu.VMEM((d, species), jnp.float32),
            pltpu.VMEM((d, species), jnp.float32),
            pltpu.VMEM((b_full,), jnp.int32),
            pltpu.VMEM((d, b_full), jnp.float32),
        ],
    )
    def gather(wxt_hbm, wzt_hbm, idx_hbm, ox_hbm, oz_hbm,
               wx_v, wz_v, idx_v, out_v):
        wid = lax.axis_index("s")
        base = wid * b_full
        pltpu.sync_copy(wxt_hbm, wx_v)
        pltpu.sync_copy(wzt_hbm, wz_v)

        def run(n_idx, size):
            pltpu.sync_copy(idx_hbm.at[pl.ds(base, n_idx)],
                            idx_v.at[pl.ds(0, n_idx)])
            if n_idx < size:
                zeros = jnp.zeros((16,), jnp.int32)
                for off in range(n_idx, size, 16):
                    idx_v[pl.ds(off, 16)] = zeros

            def table_pass(w_v, o_hbm):
                def body(ci, _):
                    off = ci * 16
                    idx = idx_v[pl.ds(off, 16)]
                    for f in range(d):
                        fvec = jnp.full((16,), f, jnp.int32)
                        vals = plsc.load_gather(w_v, [fvec, idx])
                        out_v[f, pl.ds(off, 16)] = vals
                    return 0

                lax.fori_loop(0, size // 16, body, 0)
                pltpu.sync_copy(out_v.at[:, pl.ds(0, size)],
                                o_hbm.at[:, pl.ds(base, size)])

            table_pass(wx_v, ox_hbm)
            table_pass(wz_v, oz_hbm)

        @pl.when(wid < nw - 1)
        def _full():
            run(b_full, b_full)

        @pl.when(wid == nw - 1)
        def _last():
            run(r_last, b_last)

    return gather


def kernel(x, edge_attr, W_x, W_z):
    n = x.shape[0]
    d = W_x.shape[1]
    gx, gz = _make_sc_gather(n, d, W_x.shape[0])(W_x.T, W_z.T, x)
    he_t = _bessel_edges_t(edge_attr.T)
    return gx[:, :n].T, gz[:, :n].T, he_t.T

# --- scband reference (transcript-rebuilt; emitter-appended) ---
"""Pipeline reference for scband-initial-embedding-29953101922744 (READ-ONLY COPY).

The authoritative reference and input builder live on the scoring server;
editing this copy changes nothing except your own understanding.
"""

import jax, jax.numpy as jnp
import numpy as np

NUM_SPECIES = 100
CUTOFF = 5.0
NODE_DIM = 8
NUM_BASIS = 16
N_NODES = 100000
N_EDGES = 3200000


def bessel(x, start, end, num_basis):
    # Radial Bessel basis used in NequIP: f_n(r) = sqrt(2/c) * sin(n*pi*(r-start)/c) / r
    c = end - start
    n = jnp.arange(1, num_basis + 1, dtype=jnp.float32)
    x = x[..., None]
    return jnp.sqrt(2.0 / c) * jnp.sin(n * jnp.pi * (x - start) / c) / x


def setup_inputs(seed: int = 0) -> dict:
    key = jax.random.key(seed)
    k1, k2, k3, k4 = jax.random.split(key, 4)
    x = jax.random.randint(k1, (N_NODES,), 0, NUM_SPECIES)
    edge_attr = jax.random.normal(k2, (N_EDGES, 3), dtype=jnp.float32)
    W_x = jax.random.normal(k3, (NUM_SPECIES, NODE_DIM), dtype=jnp.float32)
    W_z = jax.random.normal(k4, (NUM_SPECIES, NODE_DIM), dtype=jnp.float32)
    return {"x": x, "edge_attr": edge_attr, "W_x": W_x, "W_z": W_z}


def reference(x, edge_attr, W_x, W_z):
    # data.h_node_x = self.embed_node_x(data.x)
    h_node_x = jnp.take(W_x, x, axis=0)
    # data.h_node_z = self.embed_node_z(data.x)
    h_node_z = jnp.take(W_z, x, axis=0)
    # data.h_edge = self.embed_edge(data.edge_attr.norm(dim=-1))
    r = jnp.linalg.norm(edge_attr, axis=-1)
    h_edge = bessel(r, 0.0, CUTOFF, NUM_BASIS)
    return h_node_x, h_node_z, h_edge

if __name__ == "__main__":
    import jax
    _d = setup_inputs()
    print(jax.jit(kernel)(*tuple(_d.values())))

</pallas_src>

<mosaic_0001>
#map = affine_map<(d0, d1) -> (0, 0)>
#map1 = affine_map<(d0, d1) -> (0)>
module attributes {stable_mosaic.version = 14 : i64} {
  func.func @gather(%arg0: i32, %arg1: i32, %arg2: memref<8x100xf32, #tpu.memory_space<hbm>>, %arg3: memref<8x100xf32, #tpu.memory_space<hbm>>, %arg4: memref<100000xi32, #tpu.memory_space<hbm>>, %arg5: memref<8x100096xf32, #tpu.memory_space<hbm>>, %arg6: memref<8x100096xf32, #tpu.memory_space<hbm>>, %arg7: memref<8x100xf32, #tpu.memory_space<vmem>>, %arg8: memref<8x100xf32, #tpu.memory_space<vmem>>, %arg9: memref<6272xi32, #tpu.memory_space<vmem>>, %arg10: memref<8x6272xf32, #tpu.memory_space<vmem>>) attributes {dimension_semantics = [#tpu.dimension_semantics<core_parallel>, #tpu.dimension_semantics<subcore_parallel>], iteration_bounds = array<i64: 1, 16>, scalar_prefetch = 0 : i64, scratch_operands = 4 : i64, tpu.core_type = #tpu.core_type<sc_vector_subcore>, window_params = [{transform_indices = #map}, {transform_indices = #map}, {transform_indices = #map1}, {transform_indices = #map}, {transform_indices = #map}]} {
    %mul3A = arith.constant 6272 : i32
    %mul3A_0 = arith.muli %arg1, %mul3A : i32
    "tpu.region"() ({
      %run_scoped3A = tpu.sem_alloc : memref<!tpu.dma_semaphore, #tpu.memory_space<semaphore_mem>>
      tpu.enqueue_dma source(%arg2 : memref<8x100xf32, #tpu.memory_space<hbm>>) target(%arg7 : memref<8x100xf32, #tpu.memory_space<vmem>>) target_semaphore(%run_scoped3A : memref<!tpu.dma_semaphore, #tpu.memory_space<semaphore_mem>>)
      tpu.wait_dma2 semaphore(%run_scoped3A : memref<!tpu.dma_semaphore, #tpu.memory_space<semaphore_mem>>) src(%arg2 : memref<8x100xf32, #tpu.memory_space<hbm>>) dst(%arg7 : memref<8x100xf32, #tpu.memory_space<vmem>>)
      tpu.yield
    }) : () -> ()
    "tpu.region"() ({
      %run_scoped3A = tpu.sem_alloc : memref<!tpu.dma_semaphore, #tpu.memory_space<semaphore_mem>>
      tpu.enqueue_dma source(%arg3 : memref<8x100xf32, #tpu.memory_space<hbm>>) target(%arg8 : memref<8x100xf32, #tpu.memory_space<vmem>>) target_semaphore(%run_scoped3A : memref<!tpu.dma_semaphore, #tpu.memory_space<semaphore_mem>>)
      tpu.wait_dma2 semaphore(%run_scoped3A : memref<!tpu.dma_semaphore, #tpu.memory_space<semaphore_mem>>) src(%arg3 : memref<8x100xf32, #tpu.memory_space<hbm>>) dst(%arg8 : memref<8x100xf32, #tpu.memory_space<vmem>>)
      tpu.yield
    }) : () -> ()
    %lt3A = arith.constant 15 : i32
    %lt3A_1 = arith.cmpi slt, %arg1, %lt3A : i32
    %convert_element_type3A = arith.extui %lt3A_1 : i1 to i32
    %cond3A = arith.constant 0 : i32
    %cond3A_2 = arith.cmpi ne, %convert_element_type3A, %cond3A : i32
    scf.if %cond3A_2 {
      "tpu.region"() ({
        %run_scoped3A = tpu.sem_alloc : memref<!tpu.dma_semaphore, #tpu.memory_space<semaphore_mem>>
        %dma_start3A = arith.constant 0 : i32
        %dma_start3A_20 = tpu.memref_slice %arg9[%dma_start3A] : memref<6272xi32, #tpu.memory_space<vmem>> -> memref<6272xi32, #tpu.memory_space<vmem>>
        %dma_start3A_21 = tpu.memref_slice %arg4[%mul3A_0] : memref<100000xi32, #tpu.memory_space<hbm>> -> memref<6272xi32, #tpu.memory_space<hbm>>
        %dma_start3A_22 = arith.constant 0 : i32
        %dma_start3A_23 = tpu.memref_slice %arg9[%dma_start3A_22] : memref<6272xi32, #tpu.memory_space<vmem>> -> memref<6272xi32, #tpu.memory_space<vmem>>
        %dma_start3A_24 = tpu.memref_slice %arg4[%mul3A_0] : memref<100000xi32, #tpu.memory_space<hbm>> -> memref<6272xi32, #tpu.memory_space<hbm>>
        tpu.enqueue_dma source(%dma_start3A_24 : memref<6272xi32, #tpu.memory_space<hbm>>) target(%dma_start3A_23 : memref<6272xi32, #tpu.memory_space<vmem>>) target_semaphore(%run_scoped3A : memref<!tpu.dma_semaphore, #tpu.memory_space<semaphore_mem>>)
        %dma_wait3A = arith.constant 0 : i32
        %dma_wait3A_25 = tpu.memref_slice %arg9[%dma_wait3A] : memref<6272xi32, #tpu.memory_space<vmem>> -> memref<6272xi32, #tpu.memory_space<vmem>>
        %dma_wait3A_26 = tpu.memref_slice %arg4[%mul3A_0] : memref<100000xi32, #tpu.memory_space<hbm>> -> memref<6272xi32, #tpu.memory_space<hbm>>
        %dma_wait3A_27 = arith.constant 0 : i32
        %dma_wait3A_28 = tpu.memref_slice %arg9[%dma_wait3A_27] : memref<6272xi32, #tpu.memory_space<vmem>> -> memref<6272xi32, #tpu.memory_space<vmem>>
        %dma_wait3A_29 = tpu.memref_slice %arg4[%mul3A_0] : memref<100000xi32, #tpu.memory_space<hbm>> -> memref<6272xi32, #tpu.memory_space<hbm>>
        tpu.wait_dma2 semaphore(%run_scoped3A : memref<!tpu.dma_semaphore, #tpu.memory_space<semaphore_mem>>) src(%dma_wait3A_29 : memref<6272xi32, #tpu.memory_space<hbm>>) dst(%dma_wait3A_28 : memref<6272xi32, #tpu.memory_space<vmem>>)
        tpu.yield
      }) : () -> ()
      %scan3A = arith.constant 0 : i32
      %scan3A_7 = arith.constant 0 : i32
      %scan3A_8 = arith.constant 392 : i32
      %scan3A_9 = arith.addi %scan3A_7, %scan3A_8 : i32
      %scan3A_10 = arith.constant 1 : i32
      %scan3A_11 = scf.for %scan3A_20 = %scan3A_7 to %scan3A_9 step %scan3A_10 iter_args(%scan3A_21 = %scan3A) -> (i32)  : i32 {
        %mul3A_22 = arith.constant 16 : i32
        %mul3A_23 = arith.muli %scan3A_20, %mul3A_22 : i32
        %get3A = arith.index_cast %mul3A_23 : i32 to index
        %get3A_24 = tpu.vector_load %arg9[%get3A] {strides = array<i32>} : memref<6272xi32, #tpu.memory_space<vmem>>, vector<16xi32>,
        %broadcast_in_dim3A = arith.constant 0 : i32
        %broadcast_in_dim3A_25 = vector.broadcast %broadcast_in_dim3A : i32 to vector<16xi32>
        %gather3A = tpu.vector_load_idx %arg7[%broadcast_in_dim3A_25, %get3A_24] : memref<8x100xf32, #tpu.memory_space<vmem>>[vector<16xi32>, vector<16xi32>], vector<16xf32>,
        %swap3A = arith.constant 0 : i32
        %swap3A_26 = arith.index_cast %swap3A : i32 to index
        %swap3A_27 = arith.index_cast %mul3A_23 : i32 to index
        %swap3A_28 = tpu.vector_load %arg10[%swap3A_26, %swap3A_27] {strides = array<i32>} : memref<8x6272xf32, #tpu.memory_space<vmem>>, vector<16xf32>,
        tpu.vector_store %arg10[%swap3A_26, %swap3A_27], %gather3A {strides = array<i32>} : memref<8x6272xf32, #tpu.memory_space<vmem>>, vector<16xf32>,
        %broadcast_in_dim3A_29 = arith.constant 1 : i32
        %broadcast_in_dim3A_30 = vector.broadcast %broadcast_in_dim3A_29 : i32 to vector<16xi32>
        %gather3A_31 = tpu.vector_load_idx %arg7[%broadcast_in_dim3A_30, %get3A_24] : memref<8x100xf32, #tpu.memory_space<vmem>>[vector<16xi32>, vector<16xi32>], vector<16xf32>,
        %swap3A_32 = arith.constant 1 : i32
        %swap3A_33 = arith.index_cast %swap3A_32 : i32 to index
        %swap3A_34 = arith.index_cast %mul3A_23 : i32 to index
        %swap3A_35 = tpu.vector_load %arg10[%swap3A_33, %swap3A_34] {strides = array<i32>} : memref<8x6272xf32, #tpu.memory_space<vmem>>, vector<16xf32>,
        tpu.vector_store %arg10[%swap3A_33, %swap3A_34], %gather3A_31 {strides = array<i32>} : memref<8x6272xf32, #tpu.memory_space<vmem>>, vector<16xf32>,
        %broadcast_in_dim3A_36 = arith.constant 2 : i32
        %broadcast_in_dim3A_37 = vector.broadcast %broadcast_in_dim3A_36 : i32 to vector<16xi32>
        %gather3A_38 = tpu.vector_load_idx %arg7[%broadcast_in_dim3A_37, %get3A_24] : memref<8x100xf32, #tpu.memory_space<vmem>>[vector<16xi32>, vector<16xi32>], vector<16xf32>,
        %swap3A_39 = arith.constant 2 : i32
        %swap3A_40 = arith.index_cast %swap3A_39 : i32 to index
        %swap3A_41 = arith.index_cast %mul3A_23 : i32 to index
        %swap3A_42 = tpu.vector_load %arg10[%swap3A_40, %swap3A_41] {strides = array<i32>} : memref<8x6272xf32, #tpu.memory_space<vmem>>, vector<16xf32>,
        tpu.vector_store %arg10[%swap3A_40, %swap3A_41], %gather3A_38 {strides = array<i32>} : memref<8x6272xf32, #tpu.memory_space<vmem>>, vector<16xf32>,
        %broadcast_in_dim3A_43 = arith.constant 3 : i32
        %broadcast_in_dim3A_44 = vector.broadcast %broadcast_in_dim3A_43 : i32 to vector<16xi32>
        %gather3A_45 = tpu.vector_load_idx %arg7[%broadcast_in_dim3A_44, %get3A_24] : memref<8x100xf32, #tpu.memory_space<vmem>>[vector<16xi32>, vector<16xi32>], vector<16xf32>,
        %swap3A_46 = arith.constant 3 : i32
        %swap3A_47 = arith.index_cast %swap3A_46 : i32 to index
        %swap3A_48 = arith.index_cast %mul3A_23 : i32 to index
        %swap3A_49 = tpu.vector_load %arg10[%swap3A_47, %swap3A_48] {strides = array<i32>} : memref<8x6272xf32, #tpu.memory_space<vmem>>, vector<16xf32>,
        tpu.vector_store %arg10[%swap3A_47, %swap3A_48], %gather3A_45 {strides = array<i32>} : memref<8x6272xf32, #tpu.memory_space<vmem>>, vector<16xf32>,
        %broadcast_in_dim3A_50 = arith.constant 4 : i32
        %broadcast_in_dim3A_51 = vector.broadcast %broadcast_in_dim3A_50 : i32 to vector<16xi32>
        %gather3A_52 = tpu.vector_load_idx %arg7[%broadcast_in_dim3A_51, %get3A_24] : memref<8x100xf32, #tpu.memory_space<vmem>>[vector<16xi32>, vector<16xi32>], vector<16xf32>,
        %swap3A_53 = arith.constant 4 : i32
        %swap3A_54 = arith.index_cast %swap3A_53 : i32 to index
        %swap3A_55 = arith.index_cast %mul3A_23 : i32 to index
        %swap3A_56 = tpu.vector_load %arg10[%swap3A_54, %swap3A_55] {strides = array<i32>} : memref<8x6272xf32, #tpu.memory_space<vmem>>, vector<16xf32>,
        tpu.vector_store %arg10[%swap3A_54, %swap3A_55], %gather3A_52 {strides = array<i32>} : memref<8x6272xf32, #tpu.memory_space<vmem>>, vector<16xf32>,
        %broadcast_in_dim3A_57 = arith.constant 5 : i32
        %broadcast_in_dim3A_58 = vector.broadcast %broadcast_in_dim3A_57 : i32 to vector<16xi32>
        %gather3A_59 = tpu.vector_load_idx %arg7[%broadcast_in_dim3A_58, %get3A_24] : memref<8x100xf32, #tpu.memory_space<vmem>>[vector<16xi32>, vector<16xi32>], vector<16xf32>,
        %swap3A_60 = arith.constant 5 : i32
        %swap3A_61 = arith.index_cast %swap3A_60 : i32 to index
        %swap3A_62 = arith.index_cast %mul3A_23 : i32 to index
        %swap3A_63 = tpu.vector_load %arg10[%swap3A_61, %swap3A_62] {strides = array<i32>} : memref<8x6272xf32, #tpu.memory_space<vmem>>, vector<16xf32>,
        tpu.vector_store %arg10[%swap3A_61, %swap3A_62], %gather3A_59 {strides = array<i32>} : memref<8x6272xf32, #tpu.memory_space<vmem>>, vector<16xf32>,
        %broadcast_in_dim3A_64 = arith.constant 6 : i32
        %broadcast_in_dim3A_65 = vector.broadcast %broadcast_in_dim3A_64 : i32 to vector<16xi32>
        %gather3A_66 = tpu.vector_load_idx %arg7[%broadcast_in_dim3A_65, %get3A_24] : memref<8x100xf32, #tpu.memory_space<vmem>>[vector<16xi32>, vector<16xi32>], vector<16xf32>,
        %swap3A_67 = arith.constant 6 : i32
        %swap3A_68 = arith.index_cast %swap3A_67 : i32 to index
        %swap3A_69 = arith.index_cast %mul3A_23 : i32 to index
        %swap3A_70 = tpu.vector_load %arg10[%swap3A_68, %swap3A_69] {strides = array<i32>} : memref<8x6272xf32, #tpu.memory_space<vmem>>, vector<16xf32>,
        tpu.vector_store %arg10[%swap3A_68, %swap3A_69], %gather3A_66 {strides = array<i32>} : memref<8x6272xf32, #tpu.memory_space<vmem>>, vector<16xf32>,
        %broadcast_in_dim3A_71 = arith.constant 7 : i32
        %broadcast_in_dim3A_72 = vector.broadcast %broadcast_in_dim3A_71 : i32 to vector<16xi32>
        %gather3A_73 = tpu.vector_load_idx %arg7[%broadcast_in_dim3A_72, %get3A_24] : memref<8x100xf32, #tpu.memory_space<vmem>>[vector<16xi32>, vector<16xi32>], vector<16xf32>,
        %swap3A_74 = arith.constant 7 : i32
        %swap3A_75 = arith.index_cast %swap3A_74 : i32 to index
        %swap3A_76 = arith.index_cast %mul3A_23 : i32 to index
        %swap3A_77 = tpu.vector_load %arg10[%swap3A_75, %swap3A_76] {strides = array<i32>} : memref<8x6272xf32, #tpu.memory_space<vmem>>, vector<16xf32>,
        tpu.vector_store %arg10[%swap3A_75, %swap3A_76], %gather3A_73 {strides = array<i32>} : memref<8x6272xf32, #tpu.memory_space<vmem>>, vector<16xf32>,
        %scan3A_78 = arith.constant 0 : i32
        scf.yield %scan3A_78 : i32
      }
      %scan3A_12 = arith.constant 392 : i32
      "tpu.region"() ({
        %run_scoped3A = tpu.sem_alloc : memref<!tpu.dma_semaphore, #tpu.memory_space<semaphore_mem>>
        %dma_start3A = arith.constant 0 : i32
        %dma_start3A_20 = arith.constant 0 : i32
        %dma_start3A_21 = tpu.memref_slice %arg10[%dma_start3A, %dma_start3A_20] : memref<8x6272xf32, #tpu.memory_space<vmem>> -> memref<8x6272xf32, #tpu.memory_space<vmem>>
        %dma_start3A_22 = arith.constant 0 : i32
        %dma_start3A_23 = tpu.memref_slice %arg5[%dma_start3A_22, %mul3A_0] : memref<8x100096xf32, #tpu.memory_space<hbm>> -> memref<8x6272xf32, #tpu.memory_space<hbm>>
        %dma_start3A_24 = arith.constant 0 : i32
        %dma_start3A_25 = tpu.memref_slice %arg5[%dma_start3A_24, %mul3A_0] : memref<8x100096xf32, #tpu.memory_space<hbm>> -> memref<8x6272xf32, #tpu.memory_space<hbm>>
        %dma_start3A_26 = arith.constant 0 : i32
        %dma_start3A_27 = arith.constant 0 : i32
        %dma_start3A_28 = tpu.memref_slice %arg10[%dma_start3A_26, %dma_start3A_27] : memref<8x6272xf32, #tpu.memory_space<vmem>> -> memref<8x6272xf32, #tpu.memory_space<vmem>>
        tpu.enqueue_dma source(%dma_start3A_28 : memref<8x6272xf32, #tpu.memory_space<vmem>>) target(%dma_start3A_25 : memref<8x6272xf32, #tpu.memory_space<hbm>>) target_semaphore(%run_scoped3A : memref<!tpu.dma_semaphore, #tpu.memory_space<semaphore_mem>>)
        %dma_wait3A = arith.constant 0 : i32
        %dma_wait3A_29 = arith.constant 0 : i32
        %dma_wait3A_30 = tpu.memref_slice %arg10[%dma_wait3A, %dma_wait3A_29] : memref<8x6272xf32, #tpu.memory_space<vmem>> -> memref<8x6272xf32, #tpu.memory_space<vmem>>
        %dma_wait3A_31 = arith.constant 0 : i32
        %dma_wait3A_32 = tpu.memref_slice %arg5[%dma_wait3A_31, %mul3A_0] : memref<8x100096xf32, #tpu.memory_space<hbm>> -> memref<8x6272xf32, #tpu.memory_space<hbm>>
        %dma_wait3A_33 = arith.constant 0 : i32
        %dma_wait3A_34 = tpu.memref_slice %arg5[%dma_wait3A_33, %mul3A_0] : memref<8x100096xf32, #tpu.memory_space<hbm>> -> memref<8x6272xf32, #tpu.memory_space<hbm>>
        %dma_wait3A_35 = arith.constant 0 : i32
        %dma_wait3A_36 = arith.constant 0 : i32
        %dma_wait3A_37 = tpu.memref_slice %arg10[%dma_wait3A_35, %dma_wait3A_36] : memref<8x6272xf32, #tpu.memory_space<vmem>> -> memref<8x6272xf32, #tpu.memory_space<vmem>>
        tpu.wait_dma2 semaphore(%run_scoped3A : memref<!tpu.dma_semaphore, #tpu.memory_space<semaphore_mem>>) src(%dma_wait3A_37 : memref<8x6272xf32, #tpu.memory_space<vmem>>) dst(%dma_wait3A_34 : memref<8x6272xf32, #tpu.memory_space<hbm>>)
        tpu.yield
      }) : () -> ()
      %scan3A_13 = arith.constant 0 : i32
      %scan3A_14 = arith.constant 0 : i32
      %scan3A_15 = arith.constant 392 : i32
      %scan3A_16 = arith.addi %scan3A_14, %scan3A_15 : i32
      %scan3A_17 = arith.constant 1 : i32
      %scan3A_18 = scf.for %scan3A_20 = %scan3A_14 to %scan3A_16 step %scan3A_17 iter_args(%scan3A_21 = %scan3A_13) -> (i32)  : i32 {
        %mul3A_22 = arith.constant 16 : i32
        %mul3A_23 = arith.muli %scan3A_20, %mul3A_22 : i32
        %get3A = arith.index_cast %mul3A_23 : i32 to index
        %get3A_24 = tpu.vector_load %arg9[%get3A] {strides = array<i32>} : memref<6272xi32, #tpu.memory_space<vmem>>, vector<16xi32>,
        %broadcast_in_dim3A = arith.constant 0 : i32
        %broadcast_in_dim3A_25 = vector.broadcast %broadcast_in_dim3A : i32 to vector<16xi32>
        %gather3A = tpu.vector_load_idx %arg8[%broadcast_in_dim3A_25, %get3A_24] : memref<8x100xf32, #tpu.memory_space<vmem>>[vector<16xi32>, vector<16xi32>], vector<16xf32>,
        %swap3A = arith.constant 0 : i32
        %swap3A_26 = arith.index_cast %swap3A : i32 to index
        %swap3A_27 = arith.index_cast %mul3A_23 : i32 to index
        %swap3A_28 = tpu.vector_load %arg10[%swap3A_26, %swap3A_27] {strides = array<i32>} : memref<8x6272xf32, #tpu.memory_space<vmem>>, vector<16xf32>,
        tpu.vector_store %arg10[%swap3A_26, %swap3A_27], %gather3A {strides = array<i32>} : memref<8x6272xf32, #tpu.memory_space<vmem>>, vector<16xf32>,
        %broadcast_in_dim3A_29 = arith.constant 1 : i32
        %broadcast_in_dim3A_30 = vector.broadcast %broadcast_in_dim3A_29 : i32 to vector<16xi32>
        %gather3A_31 = tpu.vector_load_idx %arg8[%broadcast_in_dim3A_30, %get3A_24] : memref<8x100xf32, #tpu.memory_space<vmem>>[vector<16xi32>, vector<16xi32>], vector<16xf32>,
        %swap3A_32 = arith.constant 1 : i32
        %swap3A_33 = arith.index_cast %swap3A_32 : i32 to index
        %swap3A_34 = arith.index_cast %mul3A_23 : i32 to index
        %swap3A_35 = tpu.vector_load %arg10[%swap3A_33, %swap3A_34] {strides = array<i32>} : memref<8x6272xf32, #tpu.memory_space<vmem>>, vector<16xf32>,
        tpu.vector_store %arg10[%swap3A_33, %swap3A_34], %gather3A_31 {strides = array<i32>} : memref<8x6272xf32, #tpu.memory_space<vmem>>, vector<16xf32>,
        %broadcast_in_dim3A_36 = arith.constant 2 : i32
        %broadcast_in_dim3A_37 = vector.broadcast %broadcast_in_dim3A_36 : i32 to vector<16xi32>
        %gather3A_38 = tpu.vector_load_idx %arg8[%broadcast_in_dim3A_37, %get3A_24] : memref<8x100xf32, #tpu.memory_space<vmem>>[vector<16xi32>, vector<16xi32>], vector<16xf32>,
        %swap3A_39 = arith.constant 2 : i32
        %swap3A_40 = arith.index_cast %swap3A_39 : i32 to index
        %swap3A_41 = arith.index_cast %mul3A_23 : i32 to index
        %swap3A_42 = tpu.vector_load %arg10[%swap3A_40, %swap3A_41] {strides = array<i32>} : memref<8x6272xf32, #tpu.memory_space<vmem>>, vector<16xf32>,
        tpu.vector_store %arg10[%swap3A_40, %swap3A_41], %gather3A_38 {strides = array<i32>} : memref<8x6272xf32, #tpu.memory_space<vmem>>, vector<16xf32>,
        %broadcast_in_dim3A_43 = arith.constant 3 : i32
        %broadcast_in_dim3A_44 = vector.broadcast %broadcast_in_dim3A_43 : i32 to vector<16xi32>
        %gather3A_45 = tpu.vector_load_idx %arg8[%broadcast_in_dim3A_44, %get3A_24] : memref<8x100xf32, #tpu.memory_space<vmem>>[vector<16xi32>, vector<16xi32>], vector<16xf32>,
        %swap3A_46 = arith.constant 3 : i32
        %swap3A_47 = arith.index_cast %swap3A_46 : i32 to index
        %swap3A_48 = arith.index_cast %mul3A_23 : i32 to index
        %swap3A_49 = tpu.vector_load %arg10[%swap3A_47, %swap3A_48] {strides = array<i32>} : memref<8x6272xf32, #tpu.memory_space<vmem>>, vector<16xf32>,
        tpu.vector_store %arg10[%swap3A_47, %swap3A_48], %gather3A_45 {strides = array<i32>} : memref<8x6272xf32, #tpu.memory_space<vmem>>, vector<16xf32>,
        %broadcast_in_dim3A_50 = arith.constant 4 : i32
        %broadcast_in_dim3A_51 = vector.broadcast %broadcast_in_dim3A_50 : i32 to vector<16xi32>
        %gather3A_52 = tpu.vector_load_idx %arg8[%broadcast_in_dim3A_51, %get3A_24] : memref<8x100xf32, #tpu.memory_space<vmem>>[vector<16xi32>, vector<16xi32>], vector<16xf32>,
        %swap3A_53 = arith.constant 4 : i32
        %swap3A_54 = arith.index_cast %swap3A_53 : i32 to index
        %swap3A_55 = arith.index_cast %mul3A_23 : i32 to index
        %swap3A_56 = tpu.vector_load %arg10[%swap3A_54, %swap3A_55] {strides = array<i32>} : memref<8x6272xf32, #tpu.memory_space<vmem>>, vector<16xf32>,
        tpu.vector_store %arg10[%swap3A_54, %swap3A_55], %gather3A_52 {strides = array<i32>} : memref<8x6272xf32, #tpu.memory_space<vmem>>, vector<16xf32>,
        %broadcast_in_dim3A_57 = arith.constant 5 : i32
        %broadcast_in_dim3A_58 = vector.broadcast %broadcast_in_dim3A_57 : i32 to vector<16xi32>
        %gather3A_59 = tpu.vector_load_idx %arg8[%broadcast_in_dim3A_58, %get3A_24] : memref<8x100xf32, #tpu.memory_space<vmem>>[vector<16xi32>, vector<16xi32>], vector<16xf32>,
        %swap3A_60 = arith.constant 5 : i32
        %swap3A_61 = arith.index_cast %swap3A_60 : i32 to index
        %swap3A_62 = arith.index_cast %mul3A_23 : i32 to index
        %swap3A_63 = tpu.vector_load %arg10[%swap3A_61, %swap3A_62] {strides = array<i32>} : memref<8x6272xf32, #tpu.memory_space<vmem>>, vector<16xf32>,
        tpu.vector_store %arg10[%swap3A_61, %swap3A_62], %gather3A_59 {strides = array<i32>} : memref<8x6272xf32, #tpu.memory_space<vmem>>, vector<16xf32>,
        %broadcast_in_dim3A_64 = arith.constant 6 : i32
        %broadcast_in_dim3A_65 = vector.broadcast %broadcast_in_dim3A_64 : i32 to vector<16xi32>
        %gather3A_66 = tpu.vector_load_idx %arg8[%broadcast_in_dim3A_65, %get3A_24] : memref<8x100xf32, #tpu.memory_space<vmem>>[vector<16xi32>, vector<16xi32>], vector<16xf32>,
        %swap3A_67 = arith.constant 6 : i32
        %swap3A_68 = arith.index_cast %swap3A_67 : i32 to index
        %swap3A_69 = arith.index_cast %mul3A_23 : i32 to index
        %swap3A_70 = tpu.vector_load %arg10[%swap3A_68, %swap3A_69] {strides = array<i32>} : memref<8x6272xf32, #tpu.memory_space<vmem>>, vector<16xf32>,
        tpu.vector_store %arg10[%swap3A_68, %swap3A_69], %gather3A_66 {strides = array<i32>} : memref<8x6272xf32, #tpu.memory_space<vmem>>, vector<16xf32>,
        %broadcast_in_dim3A_71 = arith.constant 7 : i32
        %broadcast_in_dim3A_72 = vector.broadcast %broadcast_in_dim3A_71 : i32 to vector<16xi32>
        %gather3A_73 = tpu.vector_load_idx %arg8[%broadcast_in_dim3A_72, %get3A_24] : memref<8x100xf32, #tpu.memory_space<vmem>>[vector<16xi32>, vector<16xi32>], vector<16xf32>,
        %swap3A_74 = arith.constant 7 : i32
        %swap3A_75 = arith.index_cast %swap3A_74 : i32 to index
        %swap3A_76 = arith.index_cast %mul3A_23 : i32 to index
        %swap3A_77 = tpu.vector_load %arg10[%swap3A_75, %swap3A_76] {strides = array<i32>} : memref<8x6272xf32, #tpu.memory_space<vmem>>, vector<16xf32>,
        tpu.vector_store %arg10[%swap3A_75, %swap3A_76], %gather3A_73 {strides = array<i32>} : memref<8x6272xf32, #tpu.memory_space<vmem>>, vector<16xf32>,
        %scan3A_78 = arith.constant 0 : i32
        scf.yield %scan3A_78 : i32
      }
      %scan3A_19 = arith.constant 392 : i32
      "tpu.region"() ({
        %run_scoped3A = tpu.sem_alloc : memref<!tpu.dma_semaphore, #tpu.memory_space<semaphore_mem>>
        %dma_start3A = arith.constant 0 : i32
        %dma_start3A_20 = arith.constant 0 : i32
        %dma_start3A_21 = tpu.memref_slice %arg10[%dma_start3A, %dma_start3A_20] : memref<8x6272xf32, #tpu.memory_space<vmem>> -> memref<8x6272xf32, #tpu.memory_space<vmem>>
        %dma_start3A_22 = arith.constant 0 : i32
        %dma_start3A_23 = tpu.memref_slice %arg6[%dma_start3A_22, %mul3A_0] : memref<8x100096xf32, #tpu.memory_space<hbm>> -> memref<8x6272xf32, #tpu.memory_space<hbm>>
        %dma_start3A_24 = arith.constant 0 : i32
        %dma_start3A_25 = tpu.memref_slice %arg6[%dma_start3A_24, %mul3A_0] : memref<8x100096xf32, #tpu.memory_space<hbm>> -> memref<8x6272xf32, #tpu.memory_space<hbm>>
        %dma_start3A_26 = arith.constant 0 : i32
        %dma_start3A_27 = arith.constant 0 : i32
        %dma_start3A_28 = tpu.memref_slice %arg10[%dma_start3A_26, %dma_start3A_27] : memref<8x6272xf32, #tpu.memory_space<vmem>> -> memref<8x6272xf32, #tpu.memory_space<vmem>>
        tpu.enqueue_dma source(%dma_start3A_28 : memref<8x6272xf32, #tpu.memory_space<vmem>>) target(%dma_start3A_25 : memref<8x6272xf32, #tpu.memory_space<hbm>>) target_semaphore(%run_scoped3A : memref<!tpu.dma_semaphore, #tpu.memory_space<semaphore_mem>>)
        %dma_wait3A = arith.constant 0 : i32
        %dma_wait3A_29 = arith.constant 0 : i32
        %dma_wait3A_30 = tpu.memref_slice %arg10[%dma_wait3A, %dma_wait3A_29] : memref<8x6272xf32, #tpu.memory_space<vmem>> -> memref<8x6272xf32, #tpu.memory_space<vmem>>
        %dma_wait3A_31 = arith.constant 0 : i32
        %dma_wait3A_32 = tpu.memref_slice %arg6[%dma_wait3A_31, %mul3A_0] : memref<8x100096xf32, #tpu.memory_space<hbm>> -> memref<8x6272xf32, #tpu.memory_space<hbm>>
        %dma_wait3A_33 = arith.constant 0 : i32
        %dma_wait3A_34 = tpu.memref_slice %arg6[%dma_wait3A_33, %mul3A_0] : memref<8x100096xf32, #tpu.memory_space<hbm>> -> memref<8x6272xf32, #tpu.memory_space<hbm>>
        %dma_wait3A_35 = arith.constant 0 : i32
        %dma_wait3A_36 = arith.constant 0 : i32
        %dma_wait3A_37 = tpu.memref_slice %arg10[%dma_wait3A_35, %dma_wait3A_36] : memref<8x6272xf32, #tpu.memory_space<vmem>> -> memref<8x6272xf32, #tpu.memory_space<vmem>>
        tpu.wait_dma2 semaphore(%run_scoped3A : memref<!tpu.dma_semaphore, #tpu.memory_space<semaphore_mem>>) src(%dma_wait3A_37 : memref<8x6272xf32, #tpu.memory_space<vmem>>) dst(%dma_wait3A_34 : memref<8x6272xf32, #tpu.memory_space<hbm>>)
        tpu.yield
      }) : () -> ()
    } else {
    }
    %eq3A = arith.constant 15 : i32
    %eq3A_3 = arith.cmpi eq, %arg1, %eq3A : i32
    %convert_element_type3A_4 = arith.extui %eq3A_3 : i1 to i32
    %cond3A_5 = arith.constant 0 : i32
    %cond3A_6 = arith.cmpi ne, %convert_element_type3A_4, %cond3A_5 : i32
    scf.if %cond3A_6 {
      "tpu.region"() ({
        %run_scoped3A = tpu.sem_alloc : memref<!tpu.dma_semaphore, #tpu.memory_space<semaphore_mem>>
        %dma_start3A = arith.constant 0 : i32
        %dma_start3A_32 = tpu.memref_slice %arg9[%dma_start3A] : memref<6272xi32, #tpu.memory_space<vmem>> -> memref<5920xi32, #tpu.memory_space<vmem>>
        %dma_start3A_33 = tpu.memref_slice %arg4[%mul3A_0] : memref<100000xi32, #tpu.memory_space<hbm>> -> memref<5920xi32, #tpu.memory_space<hbm>>
        %dma_start3A_34 = arith.constant 0 : i32
        %dma_start3A_35 = tpu.memref_slice %arg9[%dma_start3A_34] : memref<6272xi32, #tpu.memory_space<vmem>> -> memref<5920xi32, #tpu.memory_space<vmem>>
        %dma_start3A_36 = tpu.memref_slice %arg4[%mul3A_0] : memref<100000xi32, #tpu.memory_space<hbm>> -> memref<5920xi32, #tpu.memory_space<hbm>>
        tpu.enqueue_dma source(%dma_start3A_36 : memref<5920xi32, #tpu.memory_space<hbm>>) target(%dma_start3A_35 : memref<5920xi32, #tpu.memory_space<vmem>>) target_semaphore(%run_scoped3A : memref<!tpu.dma_semaphore, #tpu.memory_space<semaphore_mem>>)
        %dma_wait3A = arith.constant 0 : i32
        %dma_wait3A_37 = tpu.memref_slice %arg9[%dma_wait3A] : memref<6272xi32, #tpu.memory_space<vmem>> -> memref<5920xi32, #tpu.memory_space<vmem>>
        %dma_wait3A_38 = tpu.memref_slice %arg4[%mul3A_0] : memref<100000xi32, #tpu.memory_space<hbm>> -> memref<5920xi32, #tpu.memory_space<hbm>>
        %dma_wait3A_39 = arith.constant 0 : i32
        %dma_wait3A_40 = tpu.memref_slice %arg9[%dma_wait3A_39] : memref<6272xi32, #tpu.memory_space<vmem>> -> memref<5920xi32, #tpu.memory_space<vmem>>
        %dma_wait3A_41 = tpu.memref_slice %arg4[%mul3A_0] : memref<100000xi32, #tpu.memory_space<hbm>> -> memref<5920xi32, #tpu.memory_space<hbm>>
        tpu.wait_dma2 semaphore(%run_scoped3A : memref<!tpu.dma_semaphore, #tpu.memory_space<semaphore_mem>>) src(%dma_wait3A_41 : memref<5920xi32, #tpu.memory_space<hbm>>) dst(%dma_wait3A_40 : memref<5920xi32, #tpu.memory_space<vmem>>)
        tpu.yield
      }) : () -> ()
      %broadcast_in_dim3A = arith.constant 0 : i32
      %broadcast_in_dim3A_7 = vector.broadcast %broadcast_in_dim3A : i32 to vector<16xi32>
      %swap3A = arith.constant 5920 : index
      %swap3A_8 = tpu.vector_load %arg9[%swap3A] {strides = array<i32>} : memref<6272xi32, #tpu.memory_space<vmem>>, vector<16xi32>,
      tpu.vector_store %arg9[%swap3A], %broadcast_in_dim3A_7 {strides = array<i32>} : memref<6272xi32, #tpu.memory_space<vmem>>, vector<16xi32>,
      %swap3A_9 = arith.constant 5936 : index
      %swap3A_10 = tpu.vector_load %arg9[%swap3A_9] {strides = array<i32>} : memref<6272xi32, #tpu.memory_space<vmem>>, vector<16xi32>,
      tpu.vector_store %arg9[%swap3A_9], %broadcast_in_dim3A_7 {strides = array<i32>} : memref<6272xi32, #tpu.memory_space<vmem>>, vector<16xi32>,
      %swap3A_11 = arith.constant 5952 : index
      %swap3A_12 = tpu.vector_load %arg9[%swap3A_11] {strides = array<i32>} : memref<6272xi32, #tpu.memory_space<vmem>>, vector<16xi32>,
      tpu.vector_store %arg9[%swap3A_11], %broadcast_in_dim3A_7 {strides = array<i32>} : memref<6272xi32, #tpu.memory_space<vmem>>, vector<16xi32>,
      %swap3A_13 = arith.constant 5968 : index
      %swap3A_14 = tpu.vector_load %arg9[%swap3A_13] {strides = array<i32>} : memref<6272xi32, #tpu.memory_space<vmem>>, vector<16xi32>,
      tpu.vector_store %arg9[%swap3A_13], %broadcast_in_dim3A_7 {strides = array<i32>} : memref<6272xi32, #tpu.memory_space<vmem>>, vector<16xi32>,
      %swap3A_15 = arith.constant 5984 : index
      %swap3A_16 = tpu.vector_load %arg9[%swap3A_15] {strides = array<i32>} : memref<6272xi32, #tpu.memory_space<vmem>>, vector<16xi32>,
      tpu.vector_store %arg9[%swap3A_15], %broadcast_in_dim3A_7 {strides = array<i32>} : memref<6272xi32, #tpu.memory_space<vmem>>, vector<16xi32>,
      %swap3A_17 = arith.constant 6000 : index
      %swap3A_18 = tpu.vector_load %arg9[%swap3A_17] {strides = array<i32>} : memref<6272xi32, #tpu.memory_space<vmem>>, vector<16xi32>,
      tpu.vector_store %arg9[%swap3A_17], %broadcast_in_dim3A_7 {strides = array<i32>} : memref<6272xi32, #tpu.memory_space<vmem>>, vector<16xi32>,
      %scan3A = arith.constant 0 : i32
      %scan3A_19 = arith.constant 0 : i32
      %scan3A_20 = arith.constant 376 : i32
      %scan3A_21 = arith.addi %scan3A_19, %scan3A_20 : i32
      %scan3A_22 = arith.constant 1 : i32
      %scan3A_23 = scf.for %scan3A_32 = %scan3A_19 to %scan3A_21 step %scan3A_22 iter_args(%scan3A_33 = %scan3A) -> (i32)  : i32 {
        %mul3A_34 = arith.constant 16 : i32
        %mul3A_35 = arith.muli %scan3A_32, %mul3A_34 : i32
        %get3A = arith.index_cast %mul3A_35 : i32 to index
        %get3A_36 = tpu.vector_load %arg9[%get3A] {strides = array<i32>} : memref<6272xi32, #tpu.memory_space<vmem>>, vector<16xi32>,
        %broadcast_in_dim3A_37 = arith.constant 0 : i32
        %broadcast_in_dim3A_38 = vector.broadcast %broadcast_in_dim3A_37 : i32 to vector<16xi32>
        %gather3A = tpu.vector_load_idx %arg7[%broadcast_in_dim3A_38, %get3A_36] : memref<8x100xf32, #tpu.memory_space<vmem>>[vector<16xi32>, vector<16xi32>], vector<16xf32>,
        %swap3A_39 = arith.constant 0 : i32
        %swap3A_40 = arith.index_cast %swap3A_39 : i32 to index
        %swap3A_41 = arith.index_cast %mul3A_35 : i32 to index
        %swap3A_42 = tpu.vector_load %arg10[%swap3A_40, %swap3A_41] {strides = array<i32>} : memref<8x6272xf32, #tpu.memory_space<vmem>>, vector<16xf32>,
        tpu.vector_store %arg10[%swap3A_40, %swap3A_41], %gather3A {strides = array<i32>} : memref<8x6272xf32, #tpu.memory_space<vmem>>, vector<16xf32>,
        %broadcast_in_dim3A_43 = arith.constant 1 : i32
        %broadcast_in_dim3A_44 = vector.broadcast %broadcast_in_dim3A_43 : i32 to vector<16xi32>
        %gather3A_45 = tpu.vector_load_idx %arg7[%broadcast_in_dim3A_44, %get3A_36] : memref<8x100xf32, #tpu.memory_space<vmem>>[vector<16xi32>, vector<16xi32>], vector<16xf32>,
        %swap3A_46 = arith.constant 1 : i32
        %swap3A_47 = arith.index_cast %swap3A_46 : i32 to index
        %swap3A_48 = arith.index_cast %mul3A_35 : i32 to index
        %swap3A_49 = tpu.vector_load %arg10[%swap3A_47, %swap3A_48] {strides = array<i32>} : memref<8x6272xf32, #tpu.memory_space<vmem>>, vector<16xf32>,
        tpu.vector_store %arg10[%swap3A_47, %swap3A_48], %gather3A_45 {strides = array<i32>} : memref<8x6272xf32, #tpu.memory_space<vmem>>, vector<16xf32>,
        %broadcast_in_dim3A_50 = arith.constant 2 : i32
        %broadcast_in_dim3A_51 = vector.broadcast %broadcast_in_dim3A_50 : i32 to vector<16xi32>
        %gather3A_52 = tpu.vector_load_idx %arg7[%broadcast_in_dim3A_51, %get3A_36] : memref<8x100xf32, #tpu.memory_space<vmem>>[vector<16xi32>, vector<16xi32>], vector<16xf32>,
        %swap3A_53 = arith.constant 2 : i32
        %swap3A_54 = arith.index_cast %swap3A_53 : i32 to index
        %swap3A_55 = arith.index_cast %mul3A_35 : i32 to index
        %swap3A_56 = tpu.vector_load %arg10[%swap3A_54, %swap3A_55] {strides = array<i32>} : memref<8x6272xf32, #tpu.memory_space<vmem>>, vector<16xf32>,
        tpu.vector_store %arg10[%swap3A_54, %swap3A_55], %gather3A_52 {strides = array<i32>} : memref<8x6272xf32, #tpu.memory_space<vmem>>, vector<16xf32>,
        %broadcast_in_dim3A_57 = arith.constant 3 : i32
        %broadcast_in_dim3A_58 = vector.broadcast %broadcast_in_dim3A_57 : i32 to vector<16xi32>
        %gather3A_59 = tpu.vector_load_idx %arg7[%broadcast_in_dim3A_58, %get3A_36] : memref<8x100xf32, #tpu.memory_space<vmem>>[vector<16xi32>, vector<16xi32>], vector<16xf32>,
        %swap3A_60 = arith.constant 3 : i32
        %swap3A_61 = arith.index_cast %swap3A_60 : i32 to index
        %swap3A_62 = arith.index_cast %mul3A_35 : i32 to index
        %swap3A_63 = tpu.vector_load %arg10[%swap3A_61, %swap3A_62] {strides = array<i32>} : memref<8x6272xf32, #tpu.memory_space<vmem>>, vector<16xf32>,
        tpu.vector_store %arg10[%swap3A_61, %swap3A_62], %gather3A_59 {strides = array<i32>} : memref<8x6272xf32, #tpu.memory_space<vmem>>, vector<16xf32>,
        %broadcast_in_dim3A_64 = arith.constant 4 : i32
        %broadcast_in_dim3A_65 = vector.broadcast %broadcast_in_dim3A_64 : i32 to vector<16xi32>
        %gather3A_66 = tpu.vector_load_idx %arg7[%broadcast_in_dim3A_65, %get3A_36] : memref<8x100xf32, #tpu.memory_space<vmem>>[vector<16xi32>, vector<16xi32>], vector<16xf32>,
        %swap3A_67 = arith.constant 4 : i32
        %swap3A_68 = arith.index_cast %swap3A_67 : i32 to index
        %swap3A_69 = arith.index_cast %mul3A_35 : i32 to index
        %swap3A_70 = tpu.vector_load %arg10[%swap3A_68, %swap3A_69] {strides = array<i32>} : memref<8x6272xf32, #tpu.memory_space<vmem>>, vector<16xf32>,
        tpu.vector_store %arg10[%swap3A_68, %swap3A_69], %gather3A_66 {strides = array<i32>} : memref<8x6272xf32, #tpu.memory_space<vmem>>, vector<16xf32>,
        %broadcast_in_dim3A_71 = arith.constant 5 : i32
        %broadcast_in_dim3A_72 = vector.broadcast %broadcast_in_dim3A_71 : i32 to vector<16xi32>
        %gather3A_73 = tpu.vector_load_idx %arg7[%broadcast_in_dim3A_72, %get3A_36] : memref<8x100xf32, #tpu.memory_space<vmem>>[vector<16xi32>, vector<16xi32>], vector<16xf32>,
        %swap3A_74 = arith.constant 5 : i32
        %swap3A_75 = arith.index_cast %swap3A_74 : i32 to index
        %swap3A_76 = arith.index_cast %mul3A_35 : i32 to index
        %swap3A_77 = tpu.vector_load %arg10[%swap3A_75, %swap3A_76] {strides = array<i32>} : memref<8x6272xf32, #tpu.memory_space<vmem>>, vector<16xf32>,
        tpu.vector_store %arg10[%swap3A_75, %swap3A_76], %gather3A_73 {strides = array<i32>} : memref<8x6272xf32, #tpu.memory_space<vmem>>, vector<16xf32>,
        %broadcast_in_dim3A_78 = arith.constant 6 : i32
        %broadcast_in_dim3A_79 = vector.broadcast %broadcast_in_dim3A_78 : i32 to vector<16xi32>
        %gather3A_80 = tpu.vector_load_idx %arg7[%broadcast_in_dim3A_79, %get3A_36] : memref<8x100xf32, #tpu.memory_space<vmem>>[vector<16xi32>, vector<16xi32>], vector<16xf32>,
        %swap3A_81 = arith.constant 6 : i32
        %swap3A_82 = arith.index_cast %swap3A_81 : i32 to index
        %swap3A_83 = arith.index_cast %mul3A_35 : i32 to index
        %swap3A_84 = tpu.vector_load %arg10[%swap3A_82, %swap3A_83] {strides = array<i32>} : memref<8x6272xf32, #tpu.memory_space<vmem>>, vector<16xf32>,
        tpu.vector_store %arg10[%swap3A_82, %swap3A_83], %gather3A_80 {strides = array<i32>} : memref<8x6272xf32, #tpu.memory_space<vmem>>, vector<16xf32>,
        %broadcast_in_dim3A_85 = arith.constant 7 : i32
        %broadcast_in_dim3A_86 = vector.broadcast %broadcast_in_dim3A_85 : i32 to vector<16xi32>
        %gather3A_87 = tpu.vector_load_idx %arg7[%broadcast_in_dim3A_86, %get3A_36] : memref<8x100xf32, #tpu.memory_space<vmem>>[vector<16xi32>, vector<16xi32>], vector<16xf32>,
        %swap3A_88 = arith.constant 7 : i32
        %swap3A_89 = arith.index_cast %swap3A_88 : i32 to index
        %swap3A_90 = arith.index_cast %mul3A_35 : i32 to index
        %swap3A_91 = tpu.vector_load %arg10[%swap3A_89, %swap3A_90] {strides = array<i32>} : memref<8x6272xf32, #tpu.memory_space<vmem>>, vector<16xf32>,
        tpu.vector_store %arg10[%swap3A_89, %swap3A_90], %gather3A_87 {strides = array<i32>} : memref<8x6272xf32, #tpu.memory_space<vmem>>, vector<16xf32>,
        %scan3A_92 = arith.constant 0 : i32
        scf.yield %scan3A_92 : i32
      }
      %scan3A_24 = arith.constant 376 : i32
      "tpu.region"() ({
        %run_scoped3A = tpu.sem_alloc : memref<!tpu.dma_semaphore, #tpu.memory_space<semaphore_mem>>
        %dma_start3A = arith.constant 0 : i32
        %dma_start3A_32 = arith.constant 0 : i32
        %dma_start3A_33 = tpu.memref_slice %arg10[%dma_start3A, %dma_start3A_32] : memref<8x6272xf32, #tpu.memory_space<vmem>> -> memref<8x6016xf32, #tpu.memory_space<vmem>>
        %dma_start3A_34 = arith.constant 0 : i32
        %dma_start3A_35 = tpu.memref_slice %arg5[%dma_start3A_34, %mul3A_0] : memref<8x100096xf32, #tpu.memory_space<hbm>> -> memref<8x6016xf32, #tpu.memory_space<hbm>>
        %dma_start3A_36 = arith.constant 0 : i32
        %dma_start3A_37 = tpu.memref_slice %arg5[%dma_start3A_36, %mul3A_0] : memref<8x100096xf32, #tpu.memory_space<hbm>> -> memref<8x6016xf32, #tpu.memory_space<hbm>>
        %dma_start3A_38 = arith.constant 0 : i32
        %dma_start3A_39 = arith.constant 0 : i32
        %dma_start3A_40 = tpu.memref_slice %arg10[%dma_start3A_38, %dma_start3A_39] : memref<8x6272xf32, #tpu.memory_space<vmem>> -> memref<8x6016xf32, #tpu.memory_space<vmem>>
        tpu.enqueue_dma source(%dma_start3A_40 : memref<8x6016xf32, #tpu.memory_space<vmem>>) target(%dma_start3A_37 : memref<8x6016xf32, #tpu.memory_space<hbm>>) target_semaphore(%run_scoped3A : memref<!tpu.dma_semaphore, #tpu.memory_space<semaphore_mem>>)
        %dma_wait3A = arith.constant 0 : i32
        %dma_wait3A_41 = arith.constant 0 : i32
        %dma_wait3A_42 = tpu.memref_slice %arg10[%dma_wait3A, %dma_wait3A_41] : memref<8x6272xf32, #tpu.memory_space<vmem>> -> memref<8x6016xf32, #tpu.memory_space<vmem>>
        %dma_wait3A_43 = arith.constant 0 : i32
        %dma_wait3A_44 = tpu.memref_slice %arg5[%dma_wait3A_43, %mul3A_0] : memref<8x100096xf32, #tpu.memory_space<hbm>> -> memref<8x6016xf32, #tpu.memory_space<hbm>>
        %dma_wait3A_45 = arith.constant 0 : i32
        %dma_wait3A_46 = tpu.memref_slice %arg5[%dma_wait3A_45, %mul3A_0] : memref<8x100096xf32, #tpu.memory_space<hbm>> -> memref<8x6016xf32, #tpu.memory_space<hbm>>
        %dma_wait3A_47 = arith.constant 0 : i32
        %dma_wait3A_48 = arith.constant 0 : i32
        %dma_wait3A_49 = tpu.memref_slice %arg10[%dma_wait3A_47, %dma_wait3A_48] : memref<8x6272xf32, #tpu.memory_space<vmem>> -> memref<8x6016xf32, #tpu.memory_space<vmem>>
        tpu.wait_dma2 semaphore(%run_scoped3A : memref<!tpu.dma_semaphore, #tpu.memory_space<semaphore_mem>>) src(%dma_wait3A_49 : memref<8x6016xf32, #tpu.memory_space<vmem>>) dst(%dma_wait3A_46 : memref<8x6016xf32, #tpu.memory_space<hbm>>)
        tpu.yield
      }) : () -> ()
      %scan3A_25 = arith.constant 0 : i32
      %scan3A_26 = arith.constant 0 : i32
      %scan3A_27 = arith.constant 376 : i32
      %scan3A_28 = arith.addi %scan3A_26, %scan3A_27 : i32
      %scan3A_29 = arith.constant 1 : i32
      %scan3A_30 = scf.for %scan3A_32 = %scan3A_26 to %scan3A_28 step %scan3A_29 iter_args(%scan3A_33 = %scan3A_25) -> (i32)  : i32 {
        %mul3A_34 = arith.constant 16 : i32
        %mul3A_35 = arith.muli %scan3A_32, %mul3A_34 : i32
        %get3A = arith.index_cast %mul3A_35 : i32 to index
        %get3A_36 = tpu.vector_load %arg9[%get3A] {strides = array<i32>} : memref<6272xi32, #tpu.memory_space<vmem>>, vector<16xi32>,
        %broadcast_in_dim3A_37 = arith.constant 0 : i32
        %broadcast_in_dim3A_38 = vector.broadcast %broadcast_in_dim3A_37 : i32 to vector<16xi32>
        %gather3A = tpu.vector_load_idx %arg8[%broadcast_in_dim3A_38, %get3A_36] : memref<8x100xf32, #tpu.memory_space<vmem>>[vector<16xi32>, vector<16xi32>], vector<16xf32>,
        %swap3A_39 = arith.constant 0 : i32
        %swap3A_40 = arith.index_cast %swap3A_39 : i32 to index
        %swap3A_41 = arith.index_cast %mul3A_35 : i32 to index
        %swap3A_42 = tpu.vector_load %arg10[%swap3A_40, %swap3A_41] {strides = array<i32>} : memref<8x6272xf32, #tpu.memory_space<vmem>>, vector<16xf32>,
        tpu.vector_store %arg10[%swap3A_40, %swap3A_41], %gather3A {strides = array<i32>} : memref<8x6272xf32, #tpu.memory_space<vmem>>, vector<16xf32>,
        %broadcast_in_dim3A_43 = arith.constant 1 : i32
        %broadcast_in_dim3A_44 = vector.broadcast %broadcast_in_dim3A_43 : i32 to vector<16xi32>
        %gather3A_45 = tpu.vector_load_idx %arg8[%broadcast_in_dim3A_44, %get3A_36] : memref<8x100xf32, #tpu.memory_space<vmem>>[vector<16xi32>, vector<16xi32>], vector<16xf32>,
        %swap3A_46 = arith.constant 1 : i32
        %swap3A_47 = arith.index_cast %swap3A_46 : i32 to index
        %swap3A_48 = arith.index_cast %mul3A_35 : i32 to index
        %swap3A_49 = tpu.vector_load %arg10[%swap3A_47, %swap3A_48] {strides = array<i32>} : memref<8x6272xf32, #tpu.memory_space<vmem>>, vector<16xf32>,
        tpu.vector_store %arg10[%swap3A_47, %swap3A_48], %gather3A_45 {strides = array<i32>} : memref<8x6272xf32, #tpu.memory_space<vmem>>, vector<16xf32>,
        %broadcast_in_dim3A_50 = arith.constant 2 : i32
        %broadcast_in_dim3A_51 = vector.broadcast %broadcast_in_dim3A_50 : i32 to vector<16xi32>
        %gather3A_52 = tpu.vector_load_idx %arg8[%broadcast_in_dim3A_51, %get3A_36] : memref<8x100xf32, #tpu.memory_space<vmem>>[vector<16xi32>, vector<16xi32>], vector<16xf32>,
        %swap3A_53 = arith.constant 2 : i32
        %swap3A_54 = arith.index_cast %swap3A_53 : i32 to index
        %swap3A_55 = arith.index_cast %mul3A_35 : i32 to index
        %swap3A_56 = tpu.vector_load %arg10[%swap3A_54, %swap3A_55] {strides = array<i32>} : memref<8x6272xf32, #tpu.memory_space<vmem>>, vector<16xf32>,
        tpu.vector_store %arg10[%swap3A_54, %swap3A_55], %gather3A_52 {strides = array<i32>} : memref<8x6272xf32, #tpu.memory_space<vmem>>, vector<16xf32>,
        %broadcast_in_dim3A_57 = arith.constant 3 : i32
        %broadcast_in_dim3A_58 = vector.broadcast %broadcast_in_dim3A_57 : i32 to vector<16xi32>
        %gather3A_59 = tpu.vector_load_idx %arg8[%broadcast_in_dim3A_58, %get3A_36] : memref<8x100xf32, #tpu.memory_space<vmem>>[vector<16xi32>, vector<16xi32>], vector<16xf32>,
        %swap3A_60 = arith.constant 3 : i32
        %swap3A_61 = arith.index_cast %swap3A_60 : i32 to index
        %swap3A_62 = arith.index_cast %mul3A_35 : i32 to index
        %swap3A_63 = tpu.vector_load %arg10[%swap3A_61, %swap3A_62] {strides = array<i32>} : memref<8x6272xf32, #tpu.memory_space<vmem>>, vector<16xf32>,
        tpu.vector_store %arg10[%swap3A_61, %swap3A_62], %gather3A_59 {strides = array<i32>} : memref<8x6272xf32, #tpu.memory_space<vmem>>, vector<16xf32>,
        %broadcast_in_dim3A_64 = arith.constant 4 : i32
        %broadcast_in_dim3A_65 = vector.broadcast %broadcast_in_dim3A_64 : i32 to vector<16xi32>
        %gather3A_66 = tpu.vector_load_idx %arg8[%broadcast_in_dim3A_65, %get3A_36] : memref<8x100xf32, #tpu.memory_space<vmem>>[vector<16xi32>, vector<16xi32>], vector<16xf32>,
        %swap3A_67 = arith.constant 4 : i32
        %swap3A_68 = arith.index_cast %swap3A_67 : i32 to index
        %swap3A_69 = arith.index_cast %mul3A_35 : i32 to index
        %swap3A_70 = tpu.vector_load %arg10[%swap3A_68, %swap3A_69] {strides = array<i32>} : memref<8x6272xf32, #tpu.memory_space<vmem>>, vector<16xf32>,
        tpu.vector_store %arg10[%swap3A_68, %swap3A_69], %gather3A_66 {strides = array<i32>} : memref<8x6272xf32, #tpu.memory_space<vmem>>, vector<16xf32>,
        %broadcast_in_dim3A_71 = arith.constant 5 : i32
        %broadcast_in_dim3A_72 = vector.broadcast %broadcast_in_dim3A_71 : i32 to vector<16xi32>
        %gather3A_73 = tpu.vector_load_idx %arg8[%broadcast_in_dim3A_72, %get3A_36] : memref<8x100xf32, #tpu.memory_space<vmem>>[vector<16xi32>, vector<16xi32>], vector<16xf32>,
        %swap3A_74 = arith.constant 5 : i32
        %swap3A_75 = arith.index_cast %swap3A_74 : i32 to index
        %swap3A_76 = arith.index_cast %mul3A_35 : i32 to index
        %swap3A_77 = tpu.vector_load %arg10[%swap3A_75, %swap3A_76] {strides = array<i32>} : memref<8x6272xf32, #tpu.memory_space<vmem>>, vector<16xf32>,
        tpu.vector_store %arg10[%swap3A_75, %swap3A_76], %gather3A_73 {strides = array<i32>} : memref<8x6272xf32, #tpu.memory_space<vmem>>, vector<16xf32>,
        %broadcast_in_dim3A_78 = arith.constant 6 : i32
        %broadcast_in_dim3A_79 = vector.broadcast %broadcast_in_dim3A_78 : i32 to vector<16xi32>
        %gather3A_80 = tpu.vector_load_idx %arg8[%broadcast_in_dim3A_79, %get3A_36] : memref<8x100xf32, #tpu.memory_space<vmem>>[vector<16xi32>, vector<16xi32>], vector<16xf32>,
        %swap3A_81 = arith.constant 6 : i32
        %swap3A_82 = arith.index_cast %swap3A_81 : i32 to index
        %swap3A_83 = arith.index_cast %mul3A_35 : i32 to index
        %swap3A_84 = tpu.vector_load %arg10[%swap3A_82, %swap3A_83] {strides = array<i32>} : memref<8x6272xf32, #tpu.memory_space<vmem>>, vector<16xf32>,
        tpu.vector_store %arg10[%swap3A_82, %swap3A_83], %gather3A_80 {strides = array<i32>} : memref<8x6272xf32, #tpu.memory_space<vmem>>, vector<16xf32>,
        %broadcast_in_dim3A_85 = arith.constant 7 : i32
        %broadcast_in_dim3A_86 = vector.broadcast %broadcast_in_dim3A_85 : i32 to vector<16xi32>
        %gather3A_87 = tpu.vector_load_idx %arg8[%broadcast_in_dim3A_86, %get3A_36] : memref<8x100xf32, #tpu.memory_space<vmem>>[vector<16xi32>, vector<16xi32>], vector<16xf32>,
        %swap3A_88 = arith.constant 7 : i32
        %swap3A_89 = arith.index_cast %swap3A_88 : i32 to index
        %swap3A_90 = arith.index_cast %mul3A_35 : i32 to index
        %swap3A_91 = tpu.vector_load %arg10[%swap3A_89, %swap3A_90] {strides = array<i32>} : memref<8x6272xf32, #tpu.memory_space<vmem>>, vector<16xf32>,
        tpu.vector_store %arg10[%swap3A_89, %swap3A_90], %gather3A_87 {strides = array<i32>} : memref<8x6272xf32, #tpu.memory_space<vmem>>, vector<16xf32>,
        %scan3A_92 = arith.constant 0 : i32
        scf.yield %scan3A_92 : i32
      }
      %scan3A_31 = arith.constant 376 : i32
      "tpu.region"() ({
        %run_scoped3A = tpu.sem_alloc : memref<!tpu.dma_semaphore, #tpu.memory_space<semaphore_mem>>
        %dma_start3A = arith.constant 0 : i32
        %dma_start3A_32 = arith.constant 0 : i32
        %dma_start3A_33 = tpu.memref_slice %arg10[%dma_start3A, %dma_start3A_32] : memref<8x6272xf32, #tpu.memory_space<vmem>> -> memref<8x6016xf32, #tpu.memory_space<vmem>>
        %dma_start3A_34 = arith.constant 0 : i32
        %dma_start3A_35 = tpu.memref_slice %arg6[%dma_start3A_34, %mul3A_0] : memref<8x100096xf32, #tpu.memory_space<hbm>> -> memref<8x6016xf32, #tpu.memory_space<hbm>>
        %dma_start3A_36 = arith.constant 0 : i32
        %dma_start3A_37 = tpu.memref_slice %arg6[%dma_start3A_36, %mul3A_0] : memref<8x100096xf32, #tpu.memory_space<hbm>> -> memref<8x6016xf32, #tpu.memory_space<hbm>>
        %dma_start3A_38 = arith.constant 0 : i32
        %dma_start3A_39 = arith.constant 0 : i32
        %dma_start3A_40 = tpu.memref_slice %arg10[%dma_start3A_38, %dma_start3A_39] : memref<8x6272xf32, #tpu.memory_space<vmem>> -> memref<8x6016xf32, #tpu.memory_space<vmem>>
        tpu.enqueue_dma source(%dma_start3A_40 : memref<8x6016xf32, #tpu.memory_space<vmem>>) target(%dma_start3A_37 : memref<8x6016xf32, #tpu.memory_space<hbm>>) target_semaphore(%run_scoped3A : memref<!tpu.dma_semaphore, #tpu.memory_space<semaphore_mem>>)
        %dma_wait3A = arith.constant 0 : i32
        %dma_wait3A_41 = arith.constant 0 : i32
        %dma_wait3A_42 = tpu.memref_slice %arg10[%dma_wait3A, %dma_wait3A_41] : memref<8x6272xf32, #tpu.memory_space<vmem>> -> memref<8x6016xf32, #tpu.memory_space<vmem>>
        %dma_wait3A_43 = arith.constant 0 : i32
        %dma_wait3A_44 = tpu.memref_slice %arg6[%dma_wait3A_43, %mul3A_0] : memref<8x100096xf32, #tpu.memory_space<hbm>> -> memref<8x6016xf32, #tpu.memory_space<hbm>>
        %dma_wait3A_45 = arith.constant 0 : i32
        %dma_wait3A_46 = tpu.memref_slice %arg6[%dma_wait3A_45, %mul3A_0] : memref<8x100096xf32, #tpu.memory_space<hbm>> -> memref<8x6016xf32, #tpu.memory_space<hbm>>
        %dma_wait3A_47 = arith.constant 0 : i32
        %dma_wait3A_48 = arith.constant 0 : i32
        %dma_wait3A_49 = tpu.memref_slice %arg10[%dma_wait3A_47, %dma_wait3A_48] : memref<8x6272xf32, #tpu.memory_space<vmem>> -> memref<8x6016xf32, #tpu.memory_space<vmem>>
        tpu.wait_dma2 semaphore(%run_scoped3A : memref<!tpu.dma_semaphore, #tpu.memory_space<semaphore_mem>>) src(%dma_wait3A_49 : memref<8x6016xf32, #tpu.memory_space<vmem>>) dst(%dma_wait3A_46 : memref<8x6016xf32, #tpu.memory_space<hbm>>)
        tpu.yield
      }) : () -> ()
    } else {
    }
    return
  }
}

module attributes {stable_mosaic.version = 14 : i64} {
  func.func @_bessel_body(%arg0: i32, %arg1: memref<3x64000xf32, #tpu.memory_space<vmem>>, %arg2: memref<16x64000xf32, #tpu.memory_space<vmem>>) attributes {dimension_semantics = [#tpu.dimension_semantics<arbitrary>], iteration_bounds = array<i64: 50>, scalar_prefetch = 0 : i64, scratch_operands = 0 : i64, tpu.core_type = #tpu.core_type<tc>, window_params = [{transform_indices = @transform_0, window_bounds = array<i64: 3, 64000>}, {transform_indices = @transform_1, window_bounds = array<i64: 16, 64000>}]} {
    %get3A = arith.constant 0 : index
    %get3A_0 = arith.constant 0 : index
    %get3A_1 = vector.load %arg1[%get3A, %get3A_0] : memref<3x64000xf32, #tpu.memory_space<vmem>>, vector<3x64000xf32>
    %mul3A = arith.mulf %get3A_1, %get3A_1 : vector<3x64000xf32>
    %reduce_sum3A = arith.constant dense<0.000000e+00> : vector<64000xf32>
    %reduce_sum3A_2 = vector.multi_reduction <add>, %mul3A, %reduce_sum3A [0] : vector<3x64000xf32> to vector<64000xf32>
    %broadcast_in_dim3A = vector.shape_cast %reduce_sum3A_2 : vector<64000xf32> to vector<1x64000xf32>
    %rsqrt3A = math.rsqrt %broadcast_in_dim3A : vector<1x64000xf32>
    %mul3A_3 = arith.constant 0.632455527 : f32
    %mul3A_4 = vector.broadcast %mul3A_3 : f32 to vector<1x64000xf32>
    %mul3A_5 = arith.mulf %mul3A_4, %rsqrt3A : vector<1x64000xf32>
    %mul3A_6 = arith.mulf %broadcast_in_dim3A, %rsqrt3A : vector<1x64000xf32>
    %mul3A_7 = arith.constant 2.000000e-01 : f32
    %mul3A_8 = vector.broadcast %mul3A_7 : f32 to vector<1x64000xf32>
    %mul3A_9 = arith.mulf %mul3A_8, %mul3A_6 : vector<1x64000xf32>
    %iota3A = tpu.iota {dimensions = array<i32: 0>} : vector<16x64000xi32>
    %add3A = arith.constant 1 : i32
    %add3A_10 = vector.broadcast %add3A : i32 to vector<16x64000xi32>
    %add3A_11 = arith.addi %iota3A, %add3A_10 : vector<16x64000xi32>
    %convert_element_type3A = arith.sitofp %add3A_11 : vector<16x64000xi32> to vector<16x64000xf32>
    %mul3A_12 = vector.broadcast %mul3A_9 : vector<1x64000xf32> to vector<16x64000xf32>
    %mul3A_13 = arith.mulf %convert_element_type3A, %mul3A_12 : vector<16x64000xf32>
    %round3A = math.roundeven %mul3A_13 : vector<16x64000xf32>
    %sub3A = arith.subf %mul3A_13, %round3A : vector<16x64000xf32>
    %mul3A_14 = arith.mulf %sub3A, %sub3A : vector<16x64000xf32>
    %mul3A_15 = arith.constant -0.557156086 : f32
    %mul3A_16 = vector.broadcast %mul3A_15 : f32 to vector<16x64000xf32>
    %mul3A_17 = arith.mulf %mul3A_16, %mul3A_14 : vector<16x64000xf32>
    %add3A_18 = arith.constant 2.54287434 : f32
    %add3A_19 = vector.broadcast %add3A_18 : f32 to vector<16x64000xf32>
    %add3A_20 = arith.addf %mul3A_17, %add3A_19 : vector<16x64000xf32>
    %mul3A_21 = arith.mulf %add3A_20, %mul3A_14 : vector<16x64000xf32>
    %add3A_22 = arith.constant -5.16724777 : f32
    %add3A_23 = vector.broadcast %add3A_22 : f32 to vector<16x64000xf32>
    %add3A_24 = arith.addf %mul3A_21, %add3A_23 : vector<16x64000xf32>
    %mul3A_25 = arith.mulf %add3A_24, %mul3A_14 : vector<16x64000xf32>
    %add3A_26 = arith.constant 3.14158487 : f32
    %add3A_27 = vector.broadcast %add3A_26 : f32 to vector<16x64000xf32>
    %add3A_28 = arith.addf %mul3A_25, %add3A_27 : vector<16x64000xf32>
    %mul3A_29 = arith.mulf %add3A_28, %sub3A : vector<16x64000xf32>
    %convert_element_type3A_30 = arith.fptosi %round3A : vector<16x64000xf32> to vector<16x64000xi32>
    %shift_left3A = arith.constant 31 : i32
    %shift_left3A_31 = vector.broadcast %shift_left3A : i32 to vector<16x64000xi32>
    %shift_left3A_32 = arith.shli %convert_element_type3A_30, %shift_left3A_31 : vector<16x64000xi32>
    %bitcast_convert_type3A = tpu.bitcast %mul3A_29 : vector<16x64000xf32> -> vector<16x64000xi32>
    %xor3A = arith.xori %bitcast_convert_type3A, %shift_left3A_32 : vector<16x64000xi32>
    %bitcast_convert_type3A_33 = tpu.bitcast %xor3A : vector<16x64000xi32> -> vector<16x64000xf32>
    %mul3A_34 = vector.broadcast %mul3A_5 : vector<1x64000xf32> to vector<16x64000xf32>
    %mul3A_35 = arith.mulf %bitcast_convert_type3A_33, %mul3A_34 : vector<16x64000xf32>
    %swap3A = arith.constant 0 : index
    %swap3A_36 = arith.constant 0 : index
    %swap3A_37 = vector.load %arg2[%swap3A, %swap3A_36] : memref<16x64000xf32, #tpu.memory_space<vmem>>, vector<16x64000xf32>
    tpu.vector_store %arg2[%swap3A, %swap3A_36], %mul3A_35 {strides = array<i32>} : memref<16x64000xf32, #tpu.memory_space<vmem>>, vector<16x64000xf32>,
    return
  }
  func.func @transform_0(%arg0: i32) -> (i32, i32) {
    %c0_i32 = arith.constant 0 : i32
    %c0_i32_0 = arith.constant 0 : i32
    return %c0_i32, %arg0 : i32, i32
  }
  func.func @transform_1(%arg0: i32) -> (i32, i32) {
    %c0_i32 = arith.constant 0 : i32
    %c0_i32_0 = arith.constant 0 : i32
    return %c0_i32, %arg0 : i32, i32
  }
}

</mosaic_0001>

<sc_bundles>
// kernel: kernel.4.cloned.1.call-start
scs
__scs_entry_jumppad:
0x0: {  	(pc) =	sbr.rel $0x88, $3  }
0x1: {  	(tag) =	ssettag $0x0;
	lr =	simm.s32 $0x1  }
0x2: {  	[smem:$0x3F9D] =	sst lr;
	_ =	strace $0xD0000000  }
0x3: {  	_ = 	snop  }
0x4: {  	_ = 	snop  }
0x5: {  	_ = 	snop  }
0x6: {  	_ = 	snop  }
0x7: {  	_ = 	snop  }
__scs_overlays_trampoline_lowered:
0x8: {  	[smem:$0x3FAC] =	sst s0  }
0x9: {  	[smem:$0x3FAD] =	sst s1  }
0xa: {  	[smem:$0x3FAE] =	sst s2  }
0xb: {  	[smem:$0x3FAF] =	sst s3  }
0xc: {  	[smem:$0x3FB0] =	sst s4  }
0xd: {  	[smem:$0x3FB1] =	sst s5  }
0xe: {  	[smem:$0x3FB2] =	sst s6  }
0xf: {  	[smem:$0x3FB3] =	sst s7  }
0x10: {  	[smem:$0x3FB4] =	sst s8  }
0x11: {  	[smem:$0x3FB5] =	sst s9;
	s0 =	simm.s32 @!p0 $0x0  }
0x12: {  	s1 =	sld [smem:$0x3F9B];
	s0 =	simm.s32 @p0 $0x1  }
0x13: {  	[smem:$0x3FB6] =	sst s0;
	s0 =	simm.s32 @!p1 $0x0  }
0x14: {  	s2 =	sld [smem:$0x3F9A];
	s0 =	simm.s32 @p1 $0x1  }
0x15: {  	[smem:$0x3FB7] =	sst s0;
	s0 =	simm.s32 @!p2 $0x0  }
0x16: {  	s3 =	sld [smem:$0x3FDB];
	s0 =	simm.s32 @p2 $0x1  }
0x17: {  	s4 =	simm.s32 $0x1BF5;
	[smem:$0x3FB9] =	sst s0  }
0x18: {  	s0 =	sld [smem:$0x3F9C];
	_ =	swait.ge [sflag:s4], $0x0  }
0x19: {  	s7 =	sld [smem:$0x3F9D]  }
0x1a: {  	s8 =	sadd.s32 $0xFFFFE003, lr  }
0x1b: {  	s9 =	sadd.s32 $0xFFFFFEF7, lr;
	s5 =	simm.s32 $0xFFFFFFFF;
	p2 =	slt.u32 s8, $0xFFFFF086  }
0x1c: {  	p1 =	slt.u32 s9, $0xF7A;
	s5 =	simm.s32 @!p2 $0x0  }
0x1d: {  	s5 =	simm.s32 @p1 $0x1;
	p0 =	seq.s32 s7, s2  }
0x1e: {  	s7 =	smul.u32 @!p0 $0xF7A, s2;
	p2 =	seq.s32 @!p0 s5, $0x0  }
0x1f: {  	s9 =	smul.u32 $0xF7A, s1;
	s8 =	simm.s32 @!p0 $0x1BF5;
	p2 =	por !p2, p0  }
0x20: {  	[sflag:s8] =	ssyncset.s32 @!p0 $0xFFFFF086;
	s6 =	sadd.s32 @!p0 s3, s7;
	s7 =	simm.s32 @!p0 $0x108  }
0x21: {  	s3 =	sadd.s32 s3, s9;
	s6 =	sadd.s32 @!p0 $0x88, s6;
	s7 =	simm.s32 @p2 $0x1082  }
0x22: {  	[simem:s7], [sflag:s8] =	dma.local @!p0 [hbm:s6], $0xF7A  }
0x23: {  	s9 =	sor.u32 $0xD0000000, s2;
	s6 =	simm.s32 $0x108;
	_ =	swait.ge @!p0 [sflag:s8], $0x0  }
0x24: {  	s3 =	sadd.s32 $0x88, s3;
	s6 =	simm.s32 @!p1 $0x1082;
	[sflag:s4] =	ssyncset.s32 $0xFFFFF086  }
0x25: {  	[simem:s6], [sflag:s4] =	dma.local [hbm:s3], $0xF7A  }
0x26: {  	[smem:$0x3F9D] =	sst s1;
	(tag) =	ssettag s2;
	_ =	strace s9  }
0x27: {  	s1 =	sld [smem:$0x3FAD]  }
0x28: {  	s2 =	sld [smem:$0x3FAE]  }
0x29: {  	s4 =	sld [smem:$0x3FB0]  }
0x2a: {  	p0 =	seq.s32 s5, $0x0;
	s5 =	sld [smem:$0x3FB1]  }
0x2b: {  	s6 =	sld [smem:$0x3FB2]  }
0x2c: {  	s7 =	sld [smem:$0x3FB3]  }
0x2d: {  	s3 =	simm.s32 $0x108;
	s8 =	sld [smem:$0x3FB4]  }
0x2e: {  	s3 =	simm.s32 @!p0 $0x1082;
	s9 =	sld [smem:$0x3FB5]  }
0x2f: {  	lr =	sadd.s32 s0, s3;
	s0 =	sld [smem:$0x3FAC]  }
0x30: {  	s3 =	sld [smem:$0x3FAF]  }
0x31: {  	[smem:$0x3FB8] =	sst s10  }
0x32: {  	s10 =	sld [smem:$0x3FB6];
	_ =	sdelay $0x3  }
0x33: {  	p0 =	seq.s32 s10, $0x1;
	s10 =	sld [smem:$0x3FB8];
	_ =	sdelay $0x3  }
0x34: {  	[smem:$0x3FB8] =	sst s10  }
0x35: {  	s10 =	sld [smem:$0x3FB7];
	_ =	sdelay $0x3  }
0x36: {  	p1 =	seq.s32 s10, $0x1;
	s10 =	sld [smem:$0x3FB8];
	_ =	sdelay $0x3  }
0x37: {  	[smem:$0x3FB8] =	sst s10  }
0x38: {  	s10 =	sld [smem:$0x3FB9]  }
0x39: {  	_ = 	snop;
	(pc) =	sbr.ind lr, $3  }
0x3a: {  	_ = 	snop  }
0x3b: {  	_ = 	snop  }
0x3c: {  	p2 =	seq.s32 s10, $0x1;
	s10 =	sld [smem:$0x3FB8]  }
0x3d: {  	_ =	shalt  }
0x3e: {  	_ =	shalt  }
0x3f: {  	_ =	shalt  }
0x40: {  	_ =	shalt  }
0x41: {  	_ =	shalt  }
0x42: {  	_ =	shalt  }
0x43: {  	_ =	shalt  }
0x44: {  	_ =	shalt  }
0x45: {  	_ =	shalt  }
0x46: {  	_ =	shalt  }
0x47: {  	_ =	shalt  }
0x48: {  	_ =	shalt  }
0x49: {  	_ =	shalt  }
0x4a: {  	_ =	shalt  }
0x4b: {  	_ =	shalt  }
0x4c: {  	_ =	shalt  }
0x4d: {  	_ =	shalt  }
0x4e: {  	_ =	shalt  }
0x4f: {  	_ =	shalt  }
0x50: {  	_ =	shalt  }
0x51: {  	_ =	shalt  }
0x52: {  	_ =	shalt  }
0x53: {  	_ =	shalt  }
0x54: {  	_ =	shalt  }
0x55: {  	_ =	shalt  }
0x56: {  	_ =	shalt  }
0x57: {  	_ =	shalt  }
0x58: {  	_ =	shalt  }
0x59: {  	_ =	shalt  }
0x5a: {  	_ =	shalt  }
0x5b: {  	_ =	shalt  }
0x5c: {  	_ =	shalt  }
0x5d: {  	_ =	shalt  }
0x5e: {  	_ =	shalt  }
0x5f: {  	_ =	shalt  }
0x60: {  	_ =	shalt  }
0x61: {  	_ =	shalt  }
0x62: {  	_ =	shalt  }
0x63: {  	_ =	shalt  }
0x64: {  	_ =	shalt  }
0x65: {  	_ =	shalt  }
0x66: {  	_ =	shalt  }
0x67: {  	_ =	shalt  }
0x68: {  	_ =	shalt  }
0x69: {  	_ =	shalt  }
0x6a: {  	_ =	shalt  }
0x6b: {  	_ =	shalt  }
0x6c: {  	_ =	shalt  }
0x6d: {  	_ =	shalt  }
0x6e: {  	_ =	shalt  }
0x6f: {  	_ =	shalt  }
0x70: {  	_ =	shalt  }
0x71: {  	_ =	shalt  }
0x72: {  	_ =	shalt  }
0x73: {  	_ =	shalt  }
0x74: {  	_ =	shalt  }
0x75: {  	_ =	shalt  }
0x76: {  	_ =	shalt  }
0x77: {  	_ =	shalt  }
0x78: {  	_ =	shalt  }
0x79: {  	_ =	shalt  }
0x7a: {  	_ =	shalt  }
0x7b: {  	_ =	shalt  }
0x7c: {  	_ =	shalt  }
0x7d: {  	_ =	shalt  }
0x7e: {  	_ =	shalt  }
0x7f: {  	_ =	shalt  }
0x80: {  	_ =	shalt  }
0x81: {  	_ =	shalt  }
0x82: {  	_ =	shalt  }
0x83: {  	_ =	shalt  }
0x84: {  	_ =	shalt  }
0x85: {  	_ =	shalt  }
0x86: {  	_ =	shalt  }
0x87: {  	_ =	shalt  }
.Lfunc_end0:
.L_simem_size_0:
called_computation_lowered:
.L_overlay_start_0:
0x88: {  	s0 =	sld [smem:$0x3FD9]  }
0x89: {  	s1 =	sld [smem:$0x3FFE];
	_ =	sdelay $0x3  }
0x8a: {  	s0 =	sadd.s32 s1, s0  }
0x8b: {  	[smem:$0x3FC4] =	sst s0  }
0x8c: {  	_ = 	snop  }
0x8d: {  	s0 =	sld [smem:$0x3FC9]  }
0x8e: {  	s16 =	sld [smem:$0x3FC7]  }
0x8f: {  	s2 =	sld [smem:$0x3FC6];
	(tm) =	ssettm $0x1  }
0x90: {  	s3 =	sld [smem:$0x3FFB];
	_ =	sdelay $0x3  }
0x91: {  	_ =	strace s3  }
0x92: {  	s3 =	sld [smem:$0x3FFC];
	_ =	sdelay $0x3  }
0x93: {  	_ =	strace s3  }
0x94: {  	s3 =	sld [smem:$0x3FFD];
	_ =	sdelay $0x3  }
0x95: {  	_ =	strace s3  }
0x96: {  	_ =	strace $0x8FFFFFFF  }
0x97: {  	s17 =	sld [smem:$0x3FDB];
	_ =	sdelay $0x1  }
0x98: {  	s4 =	simm.s32 $_scs_section_size  }
0x99: {  	s5 =	simm.s32 $_size__tile_overlayer_lowered;
	s6 =	simm.s32 $_tile_overlayer_lowered  }
0x9a: {  	s20 =	simm.s32 $0x1BFF;
	s19 =	sshll.u32 s6, $0x1;
	s3 =	sadd.s32 s4, s17  }
0x9b: {  	s7 =	simm.s32 $0x0;
	s18 =	sshll.u32 s5, $0x1;
	s5 =	sadd.s32 s19, s3  }
0x9c: {  	[timem:s7], [sflag:s20] =	dma.local [hbm:s5], s18  }
0x9d: {  	_ =	swait.ge [sflag:s20], s18  }
0x9e: {  	s4 =	ssub.s32 $0x0, s18;
	[sflag:s20] =	ssyncset.done $0x0  }
0x9f: {  	[sflag:s20] =	ssyncadd.s32 s4;
	_ =	sdelay $0x1  }
0xa0: {  	s21 =	simm.s32 $0x1B8B  }
0xa1: {  	_ =	swait.ge [sflag:s21], $0x1  }
0xa2: {  	[sflag:s21] =	ssyncset.done $0x0  }
0xa3: {  	s23 =	simm.s32 $0x1B8E;
	s22 =	sld [smem:$0x3FFE];
	[sflag:s21] =	ssyncadd.s32 $0xFFFFFFFF  }
0xa4: {  	s24 =	simm.s32 $execute0_lowered;
	[smem:$0x3FD2] =	sst s23  }
0xa5: {  	s5 =	sshll.u32 s24, $0x1;
	_ =	strace $0x80000046;
	[dreg:$0x1] =	wrdreg $0xFFFFFFFF  }
0xa6: {  	s25 =	simm.s32 $_size_execute0_lowered;
	s3 =	sadd.s32 s3, s5;
	[dreg:$0x0] =	wrdreg $0x0  }
0xa7: {  	s5 =	sshll.u32 s25, $0x1;
	[dreg:$0x2] =	wrdreg s3  }
0xa8: {  	[dreg:$0x3] =	wrdreg s5  }
0xa9: {  	[dreg:$0x4] =	wrdreg $0xC0  }
0xaa: {  	_ =	task [dreg:s7], $0x5FFFF  }
0xab: {  	[dreg:$0x1] =	wrdreg $0xFFFFFFFF  }
0xac: {  	[dreg:$0x0] =	wrdreg $0x60  }
0xad: {  	[dreg:$0x2] =	wrdreg s16  }
0xae: {  	[dreg:$0x3] =	wrdreg s2  }
0xaf: {  	[dreg:$0x4] =	wrdreg s0  }
0xb0: {  	[dreg:$0x5] =	wrdreg s22  }
0xb1: {  	[dreg:$0x6] =	wrdreg $0x9  }
0xb2: {  	_ =	task.clear_ibuf [dreg:s7], $0x7FFFF;
	_ =	strace $0x90000046  }
0xb3: {  	s26 =	simm.s32 $0x9;
	_ =	strace $0x80000048  }
0xb4: {  	_ =	swait.ge [sflag:s26], $0x1  }
0xb5: {  	[sflag:s26] =	ssyncadd.s32 $0xFFFFFFFF  }
0xb6: {  	_ =	strace $0x90000048  }
0xb7: {  	_ =	sfence  }
0xb8: {  	s28 =	sld [smem:$0x0];
	_ =	sdelay $0x1  }
0xb9: {  	s29 =	srdreg.scid  }
0xba: {  	s30 =	sshll.u32 s29, $0xD;
	s31 =	sshrl.u32 s29, $0x2  }
0xbb: {  	s1 =	sand.u32 $0x1, s29;
	s2 =	sand.u32 $0x4000, s30;
	s0 =	sadd.s32 s31, s28  }
0xbc: {  	s1 =	sor.u32 s2, s1;
	s0 =	sshll.u32 s0, $0x11  }
0xbd: {  	s0 =	sor.u32 s0, s1  }
0xbe: {  	s0 =	sadd.s32 $0x8F2B, s0  }
0xbf: {  	[sflag:s0] =	ssyncadd.remote.s32 $0x1  }
0xc0: {  	_ =	sfence.sel $0xFFFF  }
0xc1: {  	[dreg:$0x0] =	wrdreg $0xFFFFFFFF;
	(pc) =	sbr.abs _section_cstart, $3  }
0xc2: {  	[dreg:$0x1] =	wrdreg $0xFFFFFFFF  }
0xc3: {  	_ =	task.clear_ibuf [dreg:s7], $0x2FFFF;
	_ =	strace $0x9FFFFFFF  }
0xc4: {  	(tm) =	ssettm $0x7FFFFFFF  }
0xc5: {  	_ =	shalt  }
tec
execute0_lowered:
.L_overlay_start_1:
0x0: {  	(tag) =	ssettag $0x1  }
0x1: {  	s1 =	rddreg [dreg:$0x0]  }
0x2: {  	s6 =	rddreg [dreg:$0x1]  }
0x3: {  	s4 =	rddreg [dreg:$0x2]  }
0x4: {  	s2 =	rddreg [dreg:$0x3];
	s3 =	simm.s32 $0x0  }
0x5: {  	[smem:$0x7FF] =	sst s3  }
0x6: {  	s0 =	rddreg [dreg:$0x4];
	s5 =	simm.s32 $0x1;
	_ =	strace $0x80000047  }
0x7: {  	[tilespmem:s3], [sflag:$0x1] =	stream.linear.gather [hbm4b:s1+s3], $0x400, $0x38;
	[tilespmem:$0xE480] =	vst v63  }
0x8: {  	s1 =	stileid.u32;
	_ =	swait.ge [sflag:s5], $0x400  }
0x9: {  	p0 =	seq.s32 s1, $0xF;
	[sflag:s5] =	ssyncset.done $0x0  }
.Ltmp0:
0xa: {  	s31 =	simm.s32 $0x400;
	[sflag:s5] =	ssyncadd.s32 $0xFFFFFC00;
	(pc) =	sbr.rel @!p0 .LBB2_1-.Ltmp0, $4  }
0xb: {  	[tilespmem:s31], [sflag:$0x1] =	stream.linear.gather [hbm4b:s6+s3], $0x400, $0x38;
	[tilespmem:$0xE480] =	vst v63  }
0xc: {  	_ =	swait.ge [sflag:s5], $0x400  }
0xd: {  	[sflag:s5] =	ssyncset.done $0x0  }
0xe: {  	[sflag:s5] =	ssyncadd.s32 $0xFFFFFC00  }
0xf: {  	s6 =	sadd.s32 $0x2DF0, s4;
	s3 =	simm.s32 $0x0;
	s4 =	simm.s32 $0x800  }
0x10: {  	[tilespmem:s4], [sflag:$0x1] =	stream.linear.gather [hbm4b:s6+s3], $0x1720, $0x38;
	[tilespmem:$0xE480] =	vst v63  }
0x11: {  	_ =	swait.ge [sflag:s5], $0x1720  }
0x12: {  	[sflag:s5] =	ssyncset.done $0x0  }
0x13: {  	v0 =	vimm.s32 $0x0;
	[sflag:s5] =	ssyncadd.s32 $0xFFFFE8E0  }
0x14: {  	[tilespmem:$0x1F20] =	vst v0  }
0x15: {  	[tilespmem:$0x1F30] =	vst v0  }
0x16: {  	[tilespmem:$0x1F40] =	vst v0  }
0x17: {  	[tilespmem:$0x1F50] =	vst v0  }
0x18: {  	[tilespmem:$0x1F60] =	vst v0  }
0x19: {  	[tilespmem:$0x1F70] =	vst v0  }
0x1a: {  	v0 =	vld [tilespmem:s4+$0x0];
	_ =	sdelay $0x7  }
0x1b: {  	v1 =	vld.idx.msk [tilespmem:v0+s3+$0x0], $0xffff  }
0x1c: {  	v2 =	vadd.s32 $0x80, v0;
	_ =	sdelay $0x1  }
0x1d: {  	s28 =	sand.u32 $0x70, s3;
	s29 =	sand.u32 $0xFC00, s3  }
0x1e: {  	s7 =	sor.u32 s28, s29  }
0x1f: {  	[tilespmem:s7+$0x2080] =	vst v1  }
0x20: {  	v1 =	vld.idx.msk [tilespmem:v2+s3+$0x0], $0xffff  }
0x21: {  	v2 =	vadd.s32 $0x100, v0;
	_ =	sdelay $0x3  }
0x22: {  	[tilespmem:s7+$0x2100] =	vst v1  }
0x23: {  	v1 =	vld.idx.msk [tilespmem:v2+s3+$0x0], $0xffff  }
0x24: {  	v2 =	vadd.s32 $0x180, v0;
	_ =	sdelay $0x3  }
0x25: {  	[tilespmem:s7+$0x2180] =	vst v1  }
0x26: {  	v1 =	vld.idx.msk [tilespmem:v2+s3+$0x0], $0xffff  }
0x27: {  	v2 =	vadd.s32 $0x200, v0;
	_ =	sdelay $0x3  }
0x28: {  	[tilespmem:s7+$0x2200] =	vst v1  }
0x29: {  	v1 =	vld.idx.msk [tilespmem:v2+s3+$0x0], $0xffff  }
0x2a: {  	v2 =	vadd.s32 $0x280, v0;
	_ =	sdelay $0x3  }
0x2b: {  	[tilespmem:s7+$0x2280] =	vst v1  }
0x2c: {  	v1 =	vld.idx.msk [tilespmem:v2+s3+$0x0], $0xffff  }
0x2d: {  	v2 =	vadd.s32 $0x300, v0;
	_ =	sdelay $0x3  }
0x2e: {  	[tilespmem:s7+$0x2300] =	vst v1  }
0x2f: {  	v1 =	vld.idx.msk [tilespmem:v2+s3+$0x0], $0xffff  }
0x30: {  	v0 =	vadd.s32 $0x380, v0;
	_ =	sdelay $0x3  }
0x31: {  	[tilespmem:s7+$0x2380] =	vst v1  }
0x32: {  	v0 =	vld.idx.msk [tilespmem:v0+s3+$0x0], $0xffff  }
0x33: {  	s30 =	sand.u32 $0x7, s3  }
0x34: {  	s6 =	simm.s32 $0x10;
	s8 =	sshll.u32 s30, $0x4  }
0x35: {  	s31 =	sadd.s32 $0x0, s8;
	s8 =	simm.s32 $0x0;
	s5 =	sadd.s32 $0x17980, s2  }
0x36: {  	s2 =	sadd.s32 $0x30180, s2;
	s9 =	sor.u32 $0x380, s31;
	s7 =	simm.s32 $0x0  }
.LBB2_7:
0x37: {  	[tilespmem:s9+$0x2080] =	vst v0;
	s7 =	sadd.s32 $0x80, s7;
	s8 =	sadd.s32 $0x1, s8;
	s4 =	sadd.s32 $0x10, s4  }
0x38: {  	p0 =	sne.s32 s6, $0x1770;
	s9 =	smov.u32 s6;
	s6 =	sadd.s32 $0x10, s6;
	v0 =	vld [tilespmem:s4+$0x0]  }
0x39: {  	_ =	sdelay $0x6  }
0x3a: {  	v1 =	vld.idx.msk [tilespmem:v0+s3+$0x0], $0xffff;
	_ =	sdelay $0x1  }
0x3b: {  	v2 =	vadd.s32 $0x80, v0;
	_ =	sdelay $0x1  }
0x3c: {  	s9 =	sand.u32 $0x70, s9;
	s10 =	sand.u32 $0xFC00, s7  }
0x3d: {  	s9 =	sor.u32 s9, s10  }
0x3e: {  	[tilespmem:s9+$0x2080] =	vst v1  }
0x3f: {  	v1 =	vld.idx.msk [tilespmem:v2+s3+$0x0], $0xffff;
	_ =	sdelay $0x1  }
0x40: {  	v2 =	vadd.s32 $0x100, v0;
	_ =	sdelay $0x3  }
0x41: {  	[tilespmem:s9+$0x2100] =	vst v1  }
0x42: {  	v1 =	vld.idx.msk [tilespmem:v2+s3+$0x0], $0xffff;
	_ =	sdelay $0x1  }
0x43: {  	v2 =	vadd.s32 $0x180, v0;
	_ =	sdelay $0x3  }
0x44: {  	[tilespmem:s9+$0x2180] =	vst v1  }
0x45: {  	v1 =	vld.idx.msk [tilespmem:v2+s3+$0x0], $0xffff;
	_ =	sdelay $0x1  }
0x46: {  	v2 =	vadd.s32 $0x200, v0;
	_ =	sdelay $0x3  }
0x47: {  	[tilespmem:s9+$0x2200] =	vst v1  }
0x48: {  	v1 =	vld.idx.msk [tilespmem:v2+s3+$0x0], $0xffff;
	_ =	sdelay $0x1  }
0x49: {  	v2 =	vadd.s32 $0x280, v0;
	_ =	sdelay $0x3  }
0x4a: {  	[tilespmem:s9+$0x2280] =	vst v1  }
0x4b: {  	v1 =	vld.idx.msk [tilespmem:v2+s3+$0x0], $0xffff;
	_ =	sdelay $0x1  }
0x4c: {  	v2 =	vadd.s32 $0x300, v0;
	_ =	sdelay $0x3  }
0x4d: {  	[tilespmem:s9+$0x2300] =	vst v1  }
0x4e: {  	v1 =	vld.idx.msk [tilespmem:v2+s3+$0x0], $0xffff;
	_ =	sdelay $0x1  }
0x4f: {  	v0 =	vadd.s32 $0x380, v0;
	_ =	sdelay $0x3  }
0x50: {  	[tilespmem:s9+$0x2380] =	vst v1  }
0x51: {  	v0 =	vld.idx.msk [tilespmem:v0+s3+$0x0], $0xffff  }
.Ltmp1:
0x52: {  	(pc) =	sbr.rel @p0 .LBB2_7-.Ltmp1, $4  }
0x53: {  	s9 =	sand.u32 $0x7, s8  }
0x54: {  	s9 =	sshll.u32 s9, $0x4  }
0x55: {  	s9 =	sadd.s32 s9, s7  }
0x56: {  	s9 =	sor.u32 $0x380, s9  }
0x57: {  	[tilespmem:s9+$0x2080] =	vst v0;
	s3 =	simm.s32 $0x0;
	s4 =	simm.s32 $0x2080;
	s30 =	simm.s32 $0x1  }
0x58: {  	[hbm4b:s5+s3] =	stream.linear.scatter [tilespmem:s4], [sflag:$0x1], $0xBC00, $0x38;
	[tilespmem:$0xE480] =	vst v63  }
0x59: {  	_ =	swait.ge [sflag:s30], $0xBC00  }
0x5a: {  	[sflag:s30] =	ssyncset.done $0x0  }
0x5b: {  	s4 =	simm.s32 $0x800;
	[sflag:s30] =	ssyncadd.s32 $0xFFFF4400  }
0x5c: {  	v0 =	vld [tilespmem:s4+$0x0];
	_ =	sdelay $0x6  }
0x5d: {  	s5 =	simm.s32 $0x400  }
0x5e: {  	v1 =	vld.idx.msk [tilespmem:v0+s5+$0x0], $0xffff  }
0x5f: {  	v2 =	vadd.s32 $0x80, v0;
	_ =	sdelay $0x1  }
0x60: {  	s6 =	sand.u32 $0x70, s3;
	s7 =	sand.u32 $0xFC00, s3  }
0x61: {  	s6 =	sor.u32 s6, s7  }
0x62: {  	[tilespmem:s6+$0x2080] =	vst v1  }
0x63: {  	v1 =	vld.idx.msk [tilespmem:v2+s5+$0x0], $0xffff  }
0x64: {  	v2 =	vadd.s32 $0x100, v0;
	_ =	sdelay $0x3  }
0x65: {  	[tilespmem:s6+$0x2100] =	vst v1  }
0x66: {  	v1 =	vld.idx.msk [tilespmem:v2+s5+$0x0], $0xffff  }
0x67: {  	v2 =	vadd.s32 $0x180, v0;
	_ =	sdelay $0x3  }
0x68: {  	[tilespmem:s6+$0x2180] =	vst v1  }
0x69: {  	v1 =	vld.idx.msk [tilespmem:v2+s5+$0x0], $0xffff  }
0x6a: {  	v2 =	vadd.s32 $0x200, v0;
	_ =	sdelay $0x3  }
0x6b: {  	[tilespmem:s6+$0x2200] =	vst v1  }
0x6c: {  	v1 =	vld.idx.msk [tilespmem:v2+s5+$0x0], $0xffff  }
0x6d: {  	v2 =	vadd.s32 $0x280, v0;
	_ =	sdelay $0x3  }
0x6e: {  	[tilespmem:s6+$0x2280] =	vst v1  }
0x6f: {  	v1 =	vld.idx.msk [tilespmem:v2+s5+$0x0], $0xffff  }
0x70: {  	v2 =	vadd.s32 $0x300, v0;
	_ =	sdelay $0x3  }
0x71: {  	[tilespmem:s6+$0x2300] =	vst v1  }
0x72: {  	v1 =	vld.idx.msk [tilespmem:v2+s5+$0x0], $0xffff  }
0x73: {  	v0 =	vadd.s32 $0x380, v0;
	_ =	sdelay $0x3  }
0x74: {  	[tilespmem:s6+$0x2380] =	vst v1  }
0x75: {  	v0 =	vld.idx.msk [tilespmem:v0+s5+$0x0], $0xffff  }
0x76: {  	s31 =	sand.u32 $0x7, s3  }
0x77: {  	s7 =	sshll.u32 s31, $0x4  }
0x78: {  	s7 =	sadd.s32 $0x0, s7  }
0x79: {  	s8 =	sor.u32 $0x380, s7;
	s7 =	simm.s32 $0x0;
	s6 =	simm.s32 $0x10  }
.LBB2_9:
0x7a: {  	[tilespmem:s8+$0x2080] =	vst v0;
	s3 =	sadd.s32 $0x80, s3;
	s7 =	sadd.s32 $0x1, s7;
	s4 =	sadd.s32 $0x10, s4  }
0x7b: {  	p0 =	sne.s32 s6, $0x1770;
	s8 =	smov.u32 s6;
	s6 =	sadd.s32 $0x10, s6;
	v0 =	vld [tilespmem:s4+$0x0]  }
0x7c: {  	_ =	sdelay $0x6  }
0x7d: {  	v1 =	vld.idx.msk [tilespmem:v0+s5+$0x0], $0xffff;
	_ =	sdelay $0x1  }
0x7e: {  	v2 =	vadd.s32 $0x80, v0;
	_ =	sdelay $0x1  }
0x7f: {  	s8 =	sand.u32 $0x70, s8;
	s9 =	sand.u32 $0xFC00, s3  }
0x80: {  	s8 =	sor.u32 s8, s9  }
0x81: {  	[tilespmem:s8+$0x2080] =	vst v1  }
0x82: {  	v1 =	vld.idx.msk [tilespmem:v2+s5+$0x0], $0xffff;
	_ =	sdelay $0x1  }
0x83: {  	v2 =	vadd.s32 $0x100, v0;
	_ =	sdelay $0x3  }
0x84: {  	[tilespmem:s8+$0x2100] =	vst v1  }
0x85: {  	v1 =	vld.idx.msk [tilespmem:v2+s5+$0x0], $0xffff;
	_ =	sdelay $0x1  }
0x86: {  	v2 =	vadd.s32 $0x180, v0;
	_ =	sdelay $0x3  }
0x87: {  	[tilespmem:s8+$0x2180] =	vst v1  }
0x88: {  	v1 =	vld.idx.msk [tilespmem:v2+s5+$0x0], $0xffff;
	_ =	sdelay $0x1  }
0x89: {  	v2 =	vadd.s32 $0x200, v0;
	_ =	sdelay $0x3  }
0x8a: {  	[tilespmem:s8+$0x2200] =	vst v1  }
0x8b: {  	v1 =	vld.idx.msk [tilespmem:v2+s5+$0x0], $0xffff;
	_ =	sdelay $0x1  }
0x8c: {  	v2 =	vadd.s32 $0x280, v0;
	_ =	sdelay $0x3  }
0x8d: {  	[tilespmem:s8+$0x2280] =	vst v1  }
0x8e: {  	v1 =	vld.idx.msk [tilespmem:v2+s5+$0x0], $0xffff;
	_ =	sdelay $0x1  }
0x8f: {  	v2 =	vadd.s32 $0x300, v0;
	_ =	sdelay $0x3  }
0x90: {  	[tilespmem:s8+$0x2300] =	vst v1  }
0x91: {  	v1 =	vld.idx.msk [tilespmem:v2+s5+$0x0], $0xffff;
	_ =	sdelay $0x1  }
0x92: {  	v0 =	vadd.s32 $0x380, v0;
	_ =	sdelay $0x3  }
0x93: {  	[tilespmem:s8+$0x2380] =	vst v1  }
0x94: {  	v0 =	vld.idx.msk [tilespmem:v0+s5+$0x0], $0xffff  }
.Ltmp2:
0x95: {  	(pc) =	sbr.rel @p0 .LBB2_9-.Ltmp2, $4  }
0x96: {  	s8 =	sand.u32 $0x7, s7  }
0x97: {  	s8 =	sshll.u32 s8, $0x4  }
0x98: {  	s8 =	sadd.s32 s8, s3  }
0x99: {  	s8 =	sor.u32 $0x380, s8  }
0x9a: {  	s3 =	simm.s32 $0x0  }
.Ltmp3:
0x9b: {  	[tilespmem:s8+$0x2080] =	vst v0;
	s4 =	simm.s32 $0x2080;
	s31 =	simm.s32 $0x1;
	(pc) =	sbr.rel .LBB2_11-.Ltmp3, $4  }
0x9c: {  	[hbm4b:s2+s3] =	stream.linear.scatter [tilespmem:s4], [sflag:$0x1], $0xBC00, $0x38;
	[tilespmem:$0xE480] =	vst v63  }
0x9d: {  	_ =	swait.ge [sflag:s31], $0xBC00  }
0x9e: {  	[sflag:s31] =	ssyncset.done $0x0  }
0x9f: {  	[sflag:s31] =	ssyncadd.s32 $0xFFFF4400  }
.LBB2_1:
0xa0: {  	s6 =	smul.u32 $0x310, s1;
	_ =	sdelay $0x1  }
0xa1: {  	s6 =	sadd.s32 s4, s6;
	s4 =	simm.s32 $0x800  }
0xa2: {  	[tilespmem:s4], [sflag:$0x1] =	stream.linear.gather [hbm4b:s6+s3], $0x1880, $0x38;
	[tilespmem:$0xE480] =	vst v63  }
0xa3: {  	_ =	swait.ge [sflag:s5], $0x1880  }
0xa4: {  	[sflag:s5] =	ssyncset.done $0x0  }
0xa5: {  	[sflag:s5] =	ssyncadd.s32 $0xFFFFE780  }
0xa6: {  	v0 =	vld [tilespmem:s4+$0x0];
	_ =	sdelay $0x7  }
0xa7: {  	v1 =	vld.idx.msk [tilespmem:v0+s3+$0x0], $0xffff  }
0xa8: {  	v2 =	vadd.s32 $0x80, v0;
	_ =	sdelay $0x1  }
0xa9: {  	s26 =	sand.u32 $0x70, s3;
	s28 =	sand.u32 $0xFC00, s3  }
0xaa: {  	s7 =	sor.u32 s26, s28  }
0xab: {  	[tilespmem:s7+$0x2080] =	vst v1  }
0xac: {  	v1 =	vld.idx.msk [tilespmem:v2+s3+$0x0], $0xffff  }
0xad: {  	v2 =	vadd.s32 $0x100, v0;
	_ =	sdelay $0x3  }
0xae: {  	[tilespmem:s7+$0x2100] =	vst v1  }
0xaf: {  	v1 =	vld.idx.msk [tilespmem:v2+s3+$0x0], $0xffff  }
0xb0: {  	v2 =	vadd.s32 $0x180, v0;
	_ =	sdelay $0x3  }
0xb1: {  	[tilespmem:s7+$0x2180] =	vst v1  }
0xb2: {  	v1 =	vld.idx.msk [tilespmem:v2+s3+$0x0], $0xffff  }
0xb3: {  	v2 =	vadd.s32 $0x200, v0;
	_ =	sdelay $0x3  }
0xb4: {  	[tilespmem:s7+$0x2200] =	vst v1  }
0xb5: {  	v1 =	vld.idx.msk [tilespmem:v2+s3+$0x0], $0xffff  }
0xb6: {  	v2 =	vadd.s32 $0x280, v0;
	_ =	sdelay $0x3  }
0xb7: {  	[tilespmem:s7+$0x2280] =	vst v1  }
0xb8: {  	v1 =	vld.idx.msk [tilespmem:v2+s3+$0x0], $0xffff  }
0xb9: {  	v2 =	vadd.s32 $0x300, v0;
	_ =	sdelay $0x3  }
0xba: {  	[tilespmem:s7+$0x2300] =	vst v1  }
0xbb: {  	v1 =	vld.idx.msk [tilespmem:v2+s3+$0x0], $0xffff  }
0xbc: {  	v0 =	vadd.s32 $0x380, v0;
	_ =	sdelay $0x3  }
0xbd: {  	[tilespmem:s7+$0x2380] =	vst v1  }
0xbe: {  	s29 =	smul.u32 $0x1880, s1;
	s30 =	sand.u32 $0x7, s3;
	v0 =	vld.idx.msk [tilespmem:v0+s3+$0x0], $0xffff  }
0xbf: {  	s8 =	sshll.u32 s30, $0x4  }
0xc0: {  	s2 =	sadd.s32 s29, s2;
	s31 =	sadd.s32 $0x0, s8  }
0xc1: {  	s8 =	simm.s32 $0x0;
	s6 =	simm.s32 $0x10;
	s9 =	sor.u32 $0x380, s31  }
0xc2: {  	s5 =	sadd.s32 $0xA00, s2;
	s2 =	sadd.s32 $0x19200, s2;
	s7 =	simm.s32 $0x0  }
.LBB2_2:
0xc3: {  	[tilespmem:s9+$0x2080] =	vst v0;
	s7 =	sadd.s32 $0x80, s7;
	s8 =	sadd.s32 $0x1, s8;
	s4 =	sadd.s32 $0x10, s4  }
0xc4: {  	p0 =	sne.s32 s6, $0x1870;
	s9 =	smov.u32 s6;
	s6 =	sadd.s32 $0x10, s6;
	v0 =	vld [tilespmem:s4+$0x0]  }
0xc5: {  	_ =	sdelay $0x6  }
0xc6: {  	v1 =	vld.idx.msk [tilespmem:v0+s3+$0x0], $0xffff;
	_ =	sdelay $0x1  }
0xc7: {  	v2 =	vadd.s32 $0x80, v0;
	_ =	sdelay $0x1  }
0xc8: {  	s9 =	sand.u32 $0x70, s9;
	s10 =	sand.u32 $0xFC00, s7  }
0xc9: {  	s9 =	sor.u32 s9, s10  }
0xca: {  	[tilespmem:s9+$0x2080] =	vst v1  }
0xcb: {  	v1 =	vld.idx.msk [tilespmem:v2+s3+$0x0], $0xffff;
	_ =	sdelay $0x1  }
0xcc: {  	v2 =	vadd.s32 $0x100, v0;
	_ =	sdelay $0x3  }
0xcd: {  	[tilespmem:s9+$0x2100] =	vst v1  }
0xce: {  	v1 =	vld.idx.msk [tilespmem:v2+s3+$0x0], $0xffff;
	_ =	sdelay $0x1  }
0xcf: {  	v2 =	vadd.s32 $0x180, v0;
	_ =	sdelay $0x3  }
0xd0: {  	[tilespmem:s9+$0x2180] =	vst v1  }
0xd1: {  	v1 =	vld.idx.msk [tilespmem:v2+s3+$0x0], $0xffff;
	_ =	sdelay $0x1  }
0xd2: {  	v2 =	vadd.s32 $0x200, v0;
	_ =	sdelay $0x3  }
0xd3: {  	[tilespmem:s9+$0x2200] =	vst v1  }
0xd4: {  	v1 =	vld.idx.msk [tilespmem:v2+s3+$0x0], $0xffff;
	_ =	sdelay $0x1  }
0xd5: {  	v2 =	vadd.s32 $0x280, v0;
	_ =	sdelay $0x3  }
0xd6: {  	[tilespmem:s9+$0x2280] =	vst v1  }
0xd7: {  	v1 =	vld.idx.msk [tilespmem:v2+s3+$0x0], $0xffff;
	_ =	sdelay $0x1  }
0xd8: {  	v2 =	vadd.s32 $0x300, v0;
	_ =	sdelay $0x3  }
0xd9: {  	[tilespmem:s9+$0x2300] =	vst v1  }
0xda: {  	v1 =	vld.idx.msk [tilespmem:v2+s3+$0x0], $0xffff;
	_ =	sdelay $0x1  }
0xdb: {  	v0 =	vadd.s32 $0x380, v0;
	_ =	sdelay $0x3  }
0xdc: {  	[tilespmem:s9+$0x2380] =	vst v1  }
0xdd: {  	v0 =	vld.idx.msk [tilespmem:v0+s3+$0x0], $0xffff  }
.Ltmp4:
0xde: {  	(pc) =	sbr.rel @p0 .LBB2_2-.Ltmp4, $4  }
0xdf: {  	s9 =	sand.u32 $0x7, s8  }
0xe0: {  	s9 =	sshll.u32 s9, $0x4  }
0xe1: {  	s9 =	sadd.s32 s9, s7  }
0xe2: {  	s9 =	sor.u32 $0x380, s9  }
0xe3: {  	[tilespmem:s9+$0x2080] =	vst v0;
	s3 =	simm.s32 $0x0;
	s4 =	simm.s32 $0x2080;
	s30 =	simm.s32 $0x1  }
0xe4: {  	[hbm4b:s5+s3] =	stream.linear.scatter [tilespmem:s4], [sflag:$0x1], $0xC400, $0x38;
	[tilespmem:$0xE480] =	vst v63  }
0xe5: {  	_ =	swait.ge [sflag:s30], $0xC400  }
0xe6: {  	[sflag:s30] =	ssyncset.done $0x0  }
0xe7: {  	s4 =	simm.s32 $0x800;
	[sflag:s30] =	ssyncadd.s32 $0xFFFF3C00  }
0xe8: {  	v0 =	vld [tilespmem:s4+$0x0];
	_ =	sdelay $0x6  }
0xe9: {  	s5 =	simm.s32 $0x400  }
0xea: {  	v1 =	vld.idx.msk [tilespmem:v0+s5+$0x0], $0xffff  }
0xeb: {  	v2 =	vadd.s32 $0x80, v0;
	_ =	sdelay $0x1  }
0xec: {  	s6 =	sand.u32 $0x70, s3;
	s7 =	sand.u32 $0xFC00, s3  }
0xed: {  	s6 =	sor.u32 s6, s7  }
0xee: {  	[tilespmem:s6+$0x2080] =	vst v1  }
0xef: {  	v1 =	vld.idx.msk [tilespmem:v2+s5+$0x0], $0xffff  }
0xf0: {  	v2 =	vadd.s32 $0x100, v0;
	_ =	sdelay $0x3  }
0xf1: {  	[tilespmem:s6+$0x2100] =	vst v1  }
0xf2: {  	v1 =	vld.idx.msk [tilespmem:v2+s5+$0x0], $0xffff  }
0xf3: {  	v2 =	vadd.s32 $0x180, v0;
	_ =	sdelay $0x3  }
0xf4: {  	[tilespmem:s6+$0x2180] =	vst v1  }
0xf5: {  	v1 =	vld.idx.msk [tilespmem:v2+s5+$0x0], $0xffff  }
0xf6: {  	v2 =	vadd.s32 $0x200, v0;
	_ =	sdelay $0x3  }
0xf7: {  	[tilespmem:s6+$0x2200] =	vst v1  }
0xf8: {  	v1 =	vld.idx.msk [tilespmem:v2+s5+$0x0], $0xffff  }
0xf9: {  	v2 =	vadd.s32 $0x280, v0;
	_ =	sdelay $0x3  }
0xfa: {  	[tilespmem:s6+$0x2280] =	vst v1  }
0xfb: {  	v1 =	vld.idx.msk [tilespmem:v2+s5+$0x0], $0xffff  }
0xfc: {  	v2 =	vadd.s32 $0x300, v0;
	_ =	sdelay $0x3  }
0xfd: {  	[tilespmem:s6+$0x2300] =	vst v1  }
0xfe: {  	v1 =	vld.idx.msk [tilespmem:v2+s5+$0x0], $0xffff  }
0xff: {  	v0 =	vadd.s32 $0x380, v0;
	_ =	sdelay $0x3  }
0x100: {  	[tilespmem:s6+$0x2380] =	vst v1  }
0x101: {  	v0 =	vld.idx.msk [tilespmem:v0+s5+$0x0], $0xffff  }
0x102: {  	s31 =	sand.u32 $0x7, s3  }
0x103: {  	s7 =	sshll.u32 s31, $0x4  }
0x104: {  	s7 =	sadd.s32 $0x0, s7  }
0x105: {  	s8 =	sor.u32 $0x380, s7;
	s7 =	simm.s32 $0x0;
	s6 =	simm.s32 $0x10  }
.LBB2_4:
0x106: {  	[tilespmem:s8+$0x2080] =	vst v0;
	s3 =	sadd.s32 $0x80, s3;
	s7 =	sadd.s32 $0x1, s7;
	s4 =	sadd.s32 $0x10, s4  }
0x107: {  	p0 =	sne.s32 s6, $0x1870;
	s8 =	smov.u32 s6;
	s6 =	sadd.s32 $0x10, s6;
	v0 =	vld [tilespmem:s4+$0x0]  }
0x108: {  	_ =	sdelay $0x6  }
0x109: {  	v1 =	vld.idx.msk [tilespmem:v0+s5+$0x0], $0xffff;
	_ =	sdelay $0x1  }
0x10a: {  	v2 =	vadd.s32 $0x80, v0;
	_ =	sdelay $0x1  }
0x10b: {  	s8 =	sand.u32 $0x70, s8;
	s9 =	sand.u32 $0xFC00, s3  }
0x10c: {  	s8 =	sor.u32 s8, s9  }
0x10d: {  	[tilespmem:s8+$0x2080] =	vst v1  }
0x10e: {  	v1 =	vld.idx.msk [tilespmem:v2+s5+$0x0], $0xffff;
	_ =	sdelay $0x1  }
0x10f: {  	v2 =	vadd.s32 $0x100, v0;
	_ =	sdelay $0x3  }
0x110: {  	[tilespmem:s8+$0x2100] =	vst v1  }
0x111: {  	v1 =	vld.idx.msk [tilespmem:v2+s5+$0x0], $0xffff;
	_ =	sdelay $0x1  }
0x112: {  	v2 =	vadd.s32 $0x180, v0;
	_ =	sdelay $0x3  }
0x113: {  	[tilespmem:s8+$0x2180] =	vst v1  }
0x114: {  	v1 =	vld.idx.msk [tilespmem:v2+s5+$0x0], $0xffff;
	_ =	sdelay $0x1  }
0x115: {  	v2 =	vadd.s32 $0x200, v0;
	_ =	sdelay $0x3  }
0x116: {  	[tilespmem:s8+$0x2200] =	vst v1  }
0x117: {  	v1 =	vld.idx.msk [tilespmem:v2+s5+$0x0], $0xffff;
	_ =	sdelay $0x1  }
0x118: {  	v2 =	vadd.s32 $0x280, v0;
	_ =	sdelay $0x3  }
0x119: {  	[tilespmem:s8+$0x2280] =	vst v1  }
0x11a: {  	v1 =	vld.idx.msk [tilespmem:v2+s5+$0x0], $0xffff;
	_ =	sdelay $0x1  }
0x11b: {  	v2 =	vadd.s32 $0x300, v0;
	_ =	sdelay $0x3  }
0x11c: {  	[tilespmem:s8+$0x2300] =	vst v1  }
0x11d: {  	v1 =	vld.idx.msk [tilespmem:v2+s5+$0x0], $0xffff;
	_ =	sdelay $0x1  }
0x11e: {  	v0 =	vadd.s32 $0x380, v0;
	_ =	sdelay $0x3  }
0x11f: {  	[tilespmem:s8+$0x2380] =	vst v1  }
0x120: {  	v0 =	vld.idx.msk [tilespmem:v0+s5+$0x0], $0xffff  }
.Ltmp5:
0x121: {  	(pc) =	sbr.rel @p0 .LBB2_4-.Ltmp5, $4  }
0x122: {  	s8 =	sand.u32 $0x7, s7  }
0x123: {  	s8 =	sshll.u32 s8, $0x4  }
0x124: {  	s8 =	sadd.s32 s8, s3  }
0x125: {  	s8 =	sor.u32 $0x380, s8  }
0x126: {  	[tilespmem:s8+$0x2080] =	vst v0;
	s3 =	simm.s32 $0x0;
	s4 =	simm.s32 $0x2080;
	s31 =	simm.s32 $0x1  }
0x127: {  	[hbm4b:s2+s3] =	stream.linear.scatter [tilespmem:s4], [sflag:$0x1], $0xC400, $0x38;
	[tilespmem:$0xE480] =	vst v63  }
0x128: {  	_ =	swait.ge [sflag:s31], $0xC400  }
0x129: {  	[sflag:s31] =	ssyncset.done $0x0  }
0x12a: {  	[sflag:s31] =	ssyncadd.s32 $0xFFFF3C00  }
.LBB2_11:
0x12b: {  	_ =	sfence.sel $0x180000  }
0x12c: {  	[bflag:$0x0] =	sbarrier.arrive $0xFFFF  }
0x12d: {  	p0 =	sne.s32 s1, $0x0;
	_ =	strace $0x90000047  }
0x12e: {  	s0 =	sadd.s32 @!p0 $0x100000, s0;
	[bflag:$0x2] =	sbarrier.arrive $0xFFFF  }
0x12f: {  	[sflag:s0] =	ssyncadd.tile.s32 @!p0 $0x1;
	_ =	shalt  }
.Lfunc_end2:
_tile_overlayer_lowered:
.L_overlay_start_2:
0x130: {  	(tag) =	ssettag $0x2  }
0x131: {  	s0 =	rddreg [dreg:$0x0];
	s2 =	stileid.u32  }
0x132: {  	s1 =	rddreg [dreg:$0x1];
	p0 =	sne.s32 s2, $0x0  }
0x133: {  	s3 =	rddreg [dreg:$0x2];
	[bflag:$0x3] =	sbarrier.arrive $0xFFFF;
	s2 =	simm.s32 @!p0 $0x1C01  }
0x134: {  	[timem:s3], [sflag:s2] =	dma.local @!p0 [hbm:s0], s1  }
0x135: {  	s0 =	simm.s32 @!p0 $0x1  }
0x136: {  	_ =	swait.ge @!p0 [sflag:s0], s1  }
0x137: {  	s1 =	ssub.s32 @!p0 $0x0, s1;
	[sflag:s0] =	ssyncset.done @!p0 $0x0  }
0x138: {  	[sflag:s0] =	ssyncadd.s32 @!p0 s1  }
0x139: {  	[bflag:$0x3] =	sbarrier.arrive $0xFFFF  }
0x13a: {  	_ =	shalt  }

</sc_bundles>
